<compile_context>
chip_gen: v7x
topology: tpu7x:2x2x1
jax: 0.10.2.dev20260603
libtpu: 0.0.44.dev20260713+nightly
codegen_flags: <defaults>
</compile_context>

<pallas_src>
import jax
import jax.numpy as jnp
import numpy as np
from jax.experimental import pallas as pl
from jax.experimental.pallas import tpu as pltpu

D_IN = 1024
D_SAE = 4096
T = 8
K = 32
RB = 256

_SIGN = int(np.int32(np.uint32(0x80000000)))


def _encode_kernel(x_ref, We_ref, be_ref, bd_ref, z_ref):
    xc = x_ref[...] - bd_ref[0]
    pre = jax.lax.dot_general(
        xc, We_ref[0],
        (((1,), (0,)), ((), ())),
        preferred_element_type=jnp.float32,
    ) + be_ref[0]

    u = jax.lax.bitcast_convert_type(pre, jnp.int32)
    s = u ^ ((u >> 31) & jnp.int32(0x7FFFFFFF))

    prefix = jnp.zeros((x_ref.shape[0], 1), jnp.int32)
    for i in range(31, -1, -1):
        bit = int(np.int32(np.uint32(1 << i)))
        cand = prefix | bit
        cnt = jnp.sum(s >= (cand ^ _SIGN), axis=1,
                      keepdims=True, dtype=jnp.int32)
        prefix = jnp.where(cnt >= K, cand, prefix)
    tau = prefix ^ _SIGN

    mask = (s >= tau) & (pre > 0.0)
    z_ref[...] = jnp.where(mask, pre, 0.0)


def _decode_kernel(z_ref, x_ref, Wd_ref, bd_ref, xhat_ref, loss_ref):
    t = pl.program_id(0)
    rb = pl.program_id(1)
    xh = jax.lax.dot_general(
        z_ref[...], Wd_ref[0],
        (((1,), (1,)), ((), ())),
        preferred_element_type=jnp.float32,
    ) + bd_ref[0]
    xhat_ref[...] = xh
    err = xh - x_ref[...]

    @pl.when((t == 0) & (rb == 0))
    def _():
        loss_ref[...] = jnp.zeros((1, 1), jnp.float32)

    loss_ref[...] += jnp.sum(err * err).reshape(1, 1)


def kernel(x, W_enc, b_enc, W_dec, b_dec):
    B = x.shape[0]
    nb = B // RB
    grid = (T, nb)

    x2 = x.reshape(B, T * D_IN)
    be = b_enc.reshape(T, 1, D_SAE)
    bd = b_dec.reshape(T, 1, D_IN)

    z2 = pl.pallas_call(
        _encode_kernel,
        grid=grid,
        in_specs=[
            pl.BlockSpec((RB, D_IN), lambda t, rb: (rb, t)),
            pl.BlockSpec((1, D_IN, D_SAE), lambda t, rb: (t, 0, 0)),
            pl.BlockSpec((1, 1, D_SAE), lambda t, rb: (t, 0, 0)),
            pl.BlockSpec((1, 1, D_IN), lambda t, rb: (t, 0, 0)),
        ],
        out_specs=pl.BlockSpec((RB, D_SAE), lambda t, rb: (rb, t)),
        out_shape=jax.ShapeDtypeStruct((B, T * D_SAE), jnp.float32),
        compiler_params=pltpu.CompilerParams(
            vmem_limit_bytes=62 * 1024 * 1024,
        ),
    )(x2, W_enc, be, bd)

    xhat2, loss_sum = pl.pallas_call(
        _decode_kernel,
        grid=grid,
        in_specs=[
            pl.BlockSpec((RB, D_SAE), lambda t, rb: (rb, t)),
            pl.BlockSpec((RB, D_IN), lambda t, rb: (rb, t)),
            pl.BlockSpec((1, D_IN, D_SAE), lambda t, rb: (t, 0, 0)),
            pl.BlockSpec((1, 1, D_IN), lambda t, rb: (t, 0, 0)),
        ],
        out_specs=[
            pl.BlockSpec((RB, D_IN), lambda t, rb: (rb, t)),
            pl.BlockSpec((1, 1), lambda t, rb: (0, 0)),
        ],
        out_shape=[
            jax.ShapeDtypeStruct((B, T * D_IN), jnp.float32),
            jax.ShapeDtypeStruct((1, 1), jnp.float32),
        ],
        compiler_params=pltpu.CompilerParams(
            vmem_limit_bytes=62 * 1024 * 1024,
        ),
    )(z2, x2, W_dec, bd)

    loss = loss_sum[0, 0] / jnp.float32(B * T * D_IN)
    return (loss, xhat2.reshape(B, T, D_IN), z2.reshape(B, T, D_SAE))

# --- scband reference (transcript-rebuilt; emitter-appended) ---
"""Pipeline reference for scband-stacked-sae-919123001718 (READ-ONLY COPY).

The authoritative reference and input builder live on the scoring server;
editing this copy changes nothing except your own understanding.
"""

import jax, jax.numpy as jnp
import numpy as np

D_IN = 1024
D_SAE = 4096
T = 8
K = 32
B = 1024


def setup_inputs(seed: int = 0) -> dict:
    key = jax.random.key(seed)
    ks = jax.random.split(key, 4)
    x = jax.random.normal(ks[0], (B, T, D_IN), dtype=jnp.float32)
    W_enc = jax.random.normal(ks[1], (T, D_IN, D_SAE), dtype=jnp.float32) * (1.0 / np.sqrt(D_IN))
    b_enc = jnp.zeros((T, D_SAE), dtype=jnp.float32)
    W_dec = jax.random.normal(ks[2], (T, D_IN, D_SAE), dtype=jnp.float32)
    W_dec = W_dec / (jnp.linalg.norm(W_dec, axis=1, keepdims=True) + 1e-8)
    b_dec = jnp.zeros((T, D_IN), dtype=jnp.float32)
    return {"x": x, "W_enc": W_enc, "b_enc": b_enc, "W_dec": W_dec, "b_dec": b_dec}


def _topk_sae(x_t, W_enc_t, b_enc_t, W_dec_t, b_dec_t):
    # x_t: (B, d_in)
    pre = (x_t - b_dec_t) @ W_enc_t + b_enc_t  # (B, d_sae)
    vals, idx = jax.lax.top_k(pre, K)          # (B, K)
    vals = jax.nn.relu(vals)
    rows = jnp.arange(x_t.shape[0])[:, None]
    z = jnp.zeros_like(pre).at[rows, idx].set(vals)  # sparse latent code (B, d_sae)
    x_hat = z @ W_dec_t.T + b_dec_t            # (B, d_in)
    loss = jnp.mean((x_hat - x_t) ** 2)
    return loss, x_hat, z


def reference(x, W_enc, b_enc, W_dec, b_dec):
    losses, x_hats, zs = [], [], []
    for t in range(T):
        loss_t, x_hat_t, z_t = _topk_sae(x[:, t, :], W_enc[t], b_enc[t], W_dec[t], b_dec[t])
        losses.append(loss_t)
        x_hats.append(x_hat_t)
        zs.append(z_t)
    x_hat = jnp.stack(x_hats, axis=1)  # (B, T, d_in)
    z = jnp.stack(zs, axis=1)          # (B, T, d_sae)
    loss = jnp.stack(losses).mean()
    return (loss, x_hat, z)

if __name__ == "__main__":
    import jax
    _d = setup_inputs()
    print(jax.jit(kernel)(*tuple(_d.values())))

</pallas_src>

<mosaic_0001>
module attributes {stable_mosaic.version = 14 : i64} {
  func.func @_encode_kernel(%arg0: i32, %arg1: i32, %arg2: memref<256x1024xf32, #tpu.memory_space<vmem>>, %arg3: memref<1x1024x4096xf32, #tpu.memory_space<vmem>>, %arg4: memref<1x1x4096xf32, #tpu.memory_space<vmem>>, %arg5: memref<1x1x1024xf32, #tpu.memory_space<vmem>>, %arg6: memref<256x4096xf32, #tpu.memory_space<vmem>>) attributes {dimension_semantics = [#tpu.dimension_semantics<arbitrary>, #tpu.dimension_semantics<arbitrary>], iteration_bounds = array<i64: 8, 4>, scalar_prefetch = 0 : i64, scratch_operands = 0 : i64, tpu.core_type = #tpu.core_type<tc>, window_params = [{transform_indices = @transform_0, window_bounds = array<i64: 256, 1024>}, {transform_indices = @transform_1, window_bounds = array<i64: 1, 1024, 4096>}, {transform_indices = @transform_2, window_bounds = array<i64: 1, 1, 4096>}, {transform_indices = @transform_3, window_bounds = array<i64: 1, 1, 1024>}, {transform_indices = @transform_4, window_bounds = array<i64: 256, 4096>}]} {
    %get3A = arith.constant 0 : index
    %get3A_0 = arith.constant 0 : index
    %get3A_1 = vector.load %arg2[%get3A, %get3A_0] : memref<256x1024xf32, #tpu.memory_space<vmem>>, vector<256x1024xf32>
    %get3A_2 = arith.constant 0 : index
    %get3A_3 = arith.constant 0 : index
    %get3A_4 = arith.constant 0 : index
    %get3A_5 = vector.load %arg5[%get3A_2, %get3A_3, %get3A_4] : memref<1x1x1024xf32, #tpu.memory_space<vmem>>, vector<1x1x1024xf32>
    %get3A_6 = vector.shape_cast %get3A_5 : vector<1x1x1024xf32> to vector<1x1024xf32>
    %sub3A = vector.broadcast %get3A_6 : vector<1x1024xf32> to vector<256x1024xf32>
    %sub3A_7 = arith.subf %get3A_1, %sub3A : vector<256x1024xf32>
    %get3A_8 = arith.constant 0 : index
    %get3A_9 = arith.constant 0 : index
    %get3A_10 = arith.constant 0 : index
    %get3A_11 = vector.load %arg3[%get3A_8, %get3A_9, %get3A_10] : memref<1x1024x4096xf32, #tpu.memory_space<vmem>>, vector<1x1024x4096xf32>
    %get3A_12 = vector.shape_cast %get3A_11 : vector<1x1024x4096xf32> to vector<1024x4096xf32>
    %dot_general3A = arith.constant dense<0.000000e+00> : vector<256x4096xf32>
    %dot_general3A_13 = tpu.matmul %sub3A_7, %get3A_12, %dot_general3A {dimension_numbers = #tpu.dot_dimension_numbers<[1], [0], [0], [1], [0, 0, 1, 1], [], []>, transpose_lhs_hint = false} : vector<256x1024xf32>, vector<1024x4096xf32>, vector<256x4096xf32> -> vector<256x4096xf32>
    %get3A_14 = arith.constant 0 : index
    %get3A_15 = arith.constant 0 : index
    %get3A_16 = arith.constant 0 : index
    %get3A_17 = vector.load %arg4[%get3A_14, %get3A_15, %get3A_16] : memref<1x1x4096xf32, #tpu.memory_space<vmem>>, vector<1x1x4096xf32>
    %get3A_18 = vector.shape_cast %get3A_17 : vector<1x1x4096xf32> to vector<1x4096xf32>
    %add3A = vector.broadcast %get3A_18 : vector<1x4096xf32> to vector<256x4096xf32>
    %add3A_19 = arith.addf %dot_general3A_13, %add3A : vector<256x4096xf32>
    %bitcast_convert_type3A = tpu.bitcast %add3A_19 : vector<256x4096xf32> -> vector<256x4096xi32>
    %shift_right_arithmetic3A = arith.constant 31 : i32
    %shift_right_arithmetic3A_20 = vector.broadcast %shift_right_arithmetic3A : i32 to vector<256x4096xi32>
    %shift_right_arithmetic3A_21 = arith.shrsi %bitcast_convert_type3A, %shift_right_arithmetic3A_20 : vector<256x4096xi32>
    %and3A = arith.constant 2147483647 : i32
    %and3A_22 = vector.broadcast %and3A : i32 to vector<256x4096xi32>
    %and3A_23 = arith.andi %shift_right_arithmetic3A_21, %and3A_22 : vector<256x4096xi32>
    %xor3A = arith.xori %bitcast_convert_type3A, %and3A_23 : vector<256x4096xi32>
    %broadcast_in_dim3A = arith.constant 0 : i32
    %broadcast_in_dim3A_24 = vector.broadcast %broadcast_in_dim3A : i32 to vector<256x1xi32>
    %or3A = arith.constant -2147483648 : i32
    %or3A_25 = vector.broadcast %or3A : i32 to vector<256x1xi32>
    %or3A_26 = arith.ori %broadcast_in_dim3A_24, %or3A_25 : vector<256x1xi32>
    %xor3A_27 = arith.constant -2147483648 : i32
    %xor3A_28 = vector.broadcast %xor3A_27 : i32 to vector<256x1xi32>
    %xor3A_29 = arith.xori %or3A_26, %xor3A_28 : vector<256x1xi32>
    %ge3A = vector.broadcast %xor3A_29 : vector<256x1xi32> to vector<256x4096xi32>
    %ge3A_30 = arith.cmpi sge, %xor3A, %ge3A : vector<256x4096xi32>
    %convert_element_type3A = arith.extui %ge3A_30 : vector<256x4096xi1> to vector<256x4096xi32>
    %reduce_sum3A = arith.constant dense<0> : vector<256xi32>
    %reduce_sum3A_31 = vector.multi_reduction <add>, %convert_element_type3A, %reduce_sum3A [1] : vector<256x4096xi32> to vector<256xi32>
    %broadcast_in_dim3A_32 = vector.shape_cast %reduce_sum3A_31 : vector<256xi32> to vector<256x1xi32>
    %ge3A_33 = arith.constant 32 : i32
    %ge3A_34 = vector.broadcast %ge3A_33 : i32 to vector<256x1xi32>
    %ge3A_35 = arith.cmpi sge, %broadcast_in_dim3A_32, %ge3A_34 : vector<256x1xi32>
    %select_n3A = arith.select %ge3A_35, %or3A_26, %broadcast_in_dim3A_24 : vector<256x1xi1>, vector<256x1xi32>
    %or3A_36 = arith.constant 1073741824 : i32
    %or3A_37 = vector.broadcast %or3A_36 : i32 to vector<256x1xi32>
    %or3A_38 = arith.ori %select_n3A, %or3A_37 : vector<256x1xi32>
    %xor3A_39 = arith.constant -2147483648 : i32
    %xor3A_40 = vector.broadcast %xor3A_39 : i32 to vector<256x1xi32>
    %xor3A_41 = arith.xori %or3A_38, %xor3A_40 : vector<256x1xi32>
    %ge3A_42 = vector.broadcast %xor3A_41 : vector<256x1xi32> to vector<256x4096xi32>
    %ge3A_43 = arith.cmpi sge, %xor3A, %ge3A_42 : vector<256x4096xi32>
    %convert_element_type3A_44 = arith.extui %ge3A_43 : vector<256x4096xi1> to vector<256x4096xi32>
    %reduce_sum3A_45 = arith.constant dense<0> : vector<256xi32>
    %reduce_sum3A_46 = vector.multi_reduction <add>, %convert_element_type3A_44, %reduce_sum3A_45 [1] : vector<256x4096xi32> to vector<256xi32>
    %broadcast_in_dim3A_47 = vector.shape_cast %reduce_sum3A_46 : vector<256xi32> to vector<256x1xi32>
    %ge3A_48 = arith.constant 32 : i32
    %ge3A_49 = vector.broadcast %ge3A_48 : i32 to vector<256x1xi32>
    %ge3A_50 = arith.cmpi sge, %broadcast_in_dim3A_47, %ge3A_49 : vector<256x1xi32>
    %select_n3A_51 = arith.select %ge3A_50, %or3A_38, %select_n3A : vector<256x1xi1>, vector<256x1xi32>
    %or3A_52 = arith.constant 536870912 : i32
    %or3A_53 = vector.broadcast %or3A_52 : i32 to vector<256x1xi32>
    %or3A_54 = arith.ori %select_n3A_51, %or3A_53 : vector<256x1xi32>
    %xor3A_55 = arith.constant -2147483648 : i32
    %xor3A_56 = vector.broadcast %xor3A_55 : i32 to vector<256x1xi32>
    %xor3A_57 = arith.xori %or3A_54, %xor3A_56 : vector<256x1xi32>
    %ge3A_58 = vector.broadcast %xor3A_57 : vector<256x1xi32> to vector<256x4096xi32>
    %ge3A_59 = arith.cmpi sge, %xor3A, %ge3A_58 : vector<256x4096xi32>
    %convert_element_type3A_60 = arith.extui %ge3A_59 : vector<256x4096xi1> to vector<256x4096xi32>
    %reduce_sum3A_61 = arith.constant dense<0> : vector<256xi32>
    %reduce_sum3A_62 = vector.multi_reduction <add>, %convert_element_type3A_60, %reduce_sum3A_61 [1] : vector<256x4096xi32> to vector<256xi32>
    %broadcast_in_dim3A_63 = vector.shape_cast %reduce_sum3A_62 : vector<256xi32> to vector<256x1xi32>
    %ge3A_64 = arith.constant 32 : i32
    %ge3A_65 = vector.broadcast %ge3A_64 : i32 to vector<256x1xi32>
    %ge3A_66 = arith.cmpi sge, %broadcast_in_dim3A_63, %ge3A_65 : vector<256x1xi32>
    %select_n3A_67 = arith.select %ge3A_66, %or3A_54, %select_n3A_51 : vector<256x1xi1>, vector<256x1xi32>
    %or3A_68 = arith.constant 268435456 : i32
    %or3A_69 = vector.broadcast %or3A_68 : i32 to vector<256x1xi32>
    %or3A_70 = arith.ori %select_n3A_67, %or3A_69 : vector<256x1xi32>
    %xor3A_71 = arith.constant -2147483648 : i32
    %xor3A_72 = vector.broadcast %xor3A_71 : i32 to vector<256x1xi32>
    %xor3A_73 = arith.xori %or3A_70, %xor3A_72 : vector<256x1xi32>
    %ge3A_74 = vector.broadcast %xor3A_73 : vector<256x1xi32> to vector<256x4096xi32>
    %ge3A_75 = arith.cmpi sge, %xor3A, %ge3A_74 : vector<256x4096xi32>
    %convert_element_type3A_76 = arith.extui %ge3A_75 : vector<256x4096xi1> to vector<256x4096xi32>
    %reduce_sum3A_77 = arith.constant dense<0> : vector<256xi32>
    %reduce_sum3A_78 = vector.multi_reduction <add>, %convert_element_type3A_76, %reduce_sum3A_77 [1] : vector<256x4096xi32> to vector<256xi32>
    %broadcast_in_dim3A_79 = vector.shape_cast %reduce_sum3A_78 : vector<256xi32> to vector<256x1xi32>
    %ge3A_80 = arith.constant 32 : i32
    %ge3A_81 = vector.broadcast %ge3A_80 : i32 to vector<256x1xi32>
    %ge3A_82 = arith.cmpi sge, %broadcast_in_dim3A_79, %ge3A_81 : vector<256x1xi32>
    %select_n3A_83 = arith.select %ge3A_82, %or3A_70, %select_n3A_67 : vector<256x1xi1>, vector<256x1xi32>
    %or3A_84 = arith.constant 134217728 : i32
    %or3A_85 = vector.broadcast %or3A_84 : i32 to vector<256x1xi32>
    %or3A_86 = arith.ori %select_n3A_83, %or3A_85 : vector<256x1xi32>
    %xor3A_87 = arith.constant -2147483648 : i32
    %xor3A_88 = vector.broadcast %xor3A_87 : i32 to vector<256x1xi32>
    %xor3A_89 = arith.xori %or3A_86, %xor3A_88 : vector<256x1xi32>
    %ge3A_90 = vector.broadcast %xor3A_89 : vector<256x1xi32> to vector<256x4096xi32>
    %ge3A_91 = arith.cmpi sge, %xor3A, %ge3A_90 : vector<256x4096xi32>
    %convert_element_type3A_92 = arith.extui %ge3A_91 : vector<256x4096xi1> to vector<256x4096xi32>
    %reduce_sum3A_93 = arith.constant dense<0> : vector<256xi32>
    %reduce_sum3A_94 = vector.multi_reduction <add>, %convert_element_type3A_92, %reduce_sum3A_93 [1] : vector<256x4096xi32> to vector<256xi32>
    %broadcast_in_dim3A_95 = vector.shape_cast %reduce_sum3A_94 : vector<256xi32> to vector<256x1xi32>
    %ge3A_96 = arith.constant 32 : i32
    %ge3A_97 = vector.broadcast %ge3A_96 : i32 to vector<256x1xi32>
    %ge3A_98 = arith.cmpi sge, %broadcast_in_dim3A_95, %ge3A_97 : vector<256x1xi32>
    %select_n3A_99 = arith.select %ge3A_98, %or3A_86, %select_n3A_83 : vector<256x1xi1>, vector<256x1xi32>
    %or3A_100 = arith.constant 67108864 : i32
    %or3A_101 = vector.broadcast %or3A_100 : i32 to vector<256x1xi32>
    %or3A_102 = arith.ori %select_n3A_99, %or3A_101 : vector<256x1xi32>
    %xor3A_103 = arith.constant -2147483648 : i32
    %xor3A_104 = vector.broadcast %xor3A_103 : i32 to vector<256x1xi32>
    %xor3A_105 = arith.xori %or3A_102, %xor3A_104 : vector<256x1xi32>
    %ge3A_106 = vector.broadcast %xor3A_105 : vector<256x1xi32> to vector<256x4096xi32>
    %ge3A_107 = arith.cmpi sge, %xor3A, %ge3A_106 : vector<256x4096xi32>
    %convert_element_type3A_108 = arith.extui %ge3A_107 : vector<256x4096xi1> to vector<256x4096xi32>
    %reduce_sum3A_109 = arith.constant dense<0> : vector<256xi32>
    %reduce_sum3A_110 = vector.multi_reduction <add>, %convert_element_type3A_108, %reduce_sum3A_109 [1] : vector<256x4096xi32> to vector<256xi32>
    %broadcast_in_dim3A_111 = vector.shape_cast %reduce_sum3A_110 : vector<256xi32> to vector<256x1xi32>
    %ge3A_112 = arith.constant 32 : i32
    %ge3A_113 = vector.broadcast %ge3A_112 : i32 to vector<256x1xi32>
    %ge3A_114 = arith.cmpi sge, %broadcast_in_dim3A_111, %ge3A_113 : vector<256x1xi32>
    %select_n3A_115 = arith.select %ge3A_114, %or3A_102, %select_n3A_99 : vector<256x1xi1>, vector<256x1xi32>
    %or3A_116 = arith.constant 33554432 : i32
    %or3A_117 = vector.broadcast %or3A_116 : i32 to vector<256x1xi32>
    %or3A_118 = arith.ori %select_n3A_115, %or3A_117 : vector<256x1xi32>
    %xor3A_119 = arith.constant -2147483648 : i32
    %xor3A_120 = vector.broadcast %xor3A_119 : i32 to vector<256x1xi32>
    %xor3A_121 = arith.xori %or3A_118, %xor3A_120 : vector<256x1xi32>
    %ge3A_122 = vector.broadcast %xor3A_121 : vector<256x1xi32> to vector<256x4096xi32>
    %ge3A_123 = arith.cmpi sge, %xor3A, %ge3A_122 : vector<256x4096xi32>
    %convert_element_type3A_124 = arith.extui %ge3A_123 : vector<256x4096xi1> to vector<256x4096xi32>
    %reduce_sum3A_125 = arith.constant dense<0> : vector<256xi32>
    %reduce_sum3A_126 = vector.multi_reduction <add>, %convert_element_type3A_124, %reduce_sum3A_125 [1] : vector<256x4096xi32> to vector<256xi32>
    %broadcast_in_dim3A_127 = vector.shape_cast %reduce_sum3A_126 : vector<256xi32> to vector<256x1xi32>
    %ge3A_128 = arith.constant 32 : i32
    %ge3A_129 = vector.broadcast %ge3A_128 : i32 to vector<256x1xi32>
    %ge3A_130 = arith.cmpi sge, %broadcast_in_dim3A_127, %ge3A_129 : vector<256x1xi32>
    %select_n3A_131 = arith.select %ge3A_130, %or3A_118, %select_n3A_115 : vector<256x1xi1>, vector<256x1xi32>
    %or3A_132 = arith.constant 16777216 : i32
    %or3A_133 = vector.broadcast %or3A_132 : i32 to vector<256x1xi32>
    %or3A_134 = arith.ori %select_n3A_131, %or3A_133 : vector<256x1xi32>
    %xor3A_135 = arith.constant -2147483648 : i32
    %xor3A_136 = vector.broadcast %xor3A_135 : i32 to vector<256x1xi32>
    %xor3A_137 = arith.xori %or3A_134, %xor3A_136 : vector<256x1xi32>
    %ge3A_138 = vector.broadcast %xor3A_137 : vector<256x1xi32> to vector<256x4096xi32>
    %ge3A_139 = arith.cmpi sge, %xor3A, %ge3A_138 : vector<256x4096xi32>
    %convert_element_type3A_140 = arith.extui %ge3A_139 : vector<256x4096xi1> to vector<256x4096xi32>
    %reduce_sum3A_141 = arith.constant dense<0> : vector<256xi32>
    %reduce_sum3A_142 = vector.multi_reduction <add>, %convert_element_type3A_140, %reduce_sum3A_141 [1] : vector<256x4096xi32> to vector<256xi32>
    %broadcast_in_dim3A_143 = vector.shape_cast %reduce_sum3A_142 : vector<256xi32> to vector<256x1xi32>
    %ge3A_144 = arith.constant 32 : i32
    %ge3A_145 = vector.broadcast %ge3A_144 : i32 to vector<256x1xi32>
    %ge3A_146 = arith.cmpi sge, %broadcast_in_dim3A_143, %ge3A_145 : vector<256x1xi32>
    %select_n3A_147 = arith.select %ge3A_146, %or3A_134, %select_n3A_131 : vector<256x1xi1>, vector<256x1xi32>
    %or3A_148 = arith.constant 8388608 : i32
    %or3A_149 = vector.broadcast %or3A_148 : i32 to vector<256x1xi32>
    %or3A_150 = arith.ori %select_n3A_147, %or3A_149 : vector<256x1xi32>
    %xor3A_151 = arith.constant -2147483648 : i32
    %xor3A_152 = vector.broadcast %xor3A_151 : i32 to vector<256x1xi32>
    %xor3A_153 = arith.xori %or3A_150, %xor3A_152 : vector<256x1xi32>
    %ge3A_154 = vector.broadcast %xor3A_153 : vector<256x1xi32> to vector<256x4096xi32>
    %ge3A_155 = arith.cmpi sge, %xor3A, %ge3A_154 : vector<256x4096xi32>
    %convert_element_type3A_156 = arith.extui %ge3A_155 : vector<256x4096xi1> to vector<256x4096xi32>
    %reduce_sum3A_157 = arith.constant dense<0> : vector<256xi32>
    %reduce_sum3A_158 = vector.multi_reduction <add>, %convert_element_type3A_156, %reduce_sum3A_157 [1] : vector<256x4096xi32> to vector<256xi32>
    %broadcast_in_dim3A_159 = vector.shape_cast %reduce_sum3A_158 : vector<256xi32> to vector<256x1xi32>
    %ge3A_160 = arith.constant 32 : i32
    %ge3A_161 = vector.broadcast %ge3A_160 : i32 to vector<256x1xi32>
    %ge3A_162 = arith.cmpi sge, %broadcast_in_dim3A_159, %ge3A_161 : vector<256x1xi32>
    %select_n3A_163 = arith.select %ge3A_162, %or3A_150, %select_n3A_147 : vector<256x1xi1>, vector<256x1xi32>
    %or3A_164 = arith.constant 4194304 : i32
    %or3A_165 = vector.broadcast %or3A_164 : i32 to vector<256x1xi32>
    %or3A_166 = arith.ori %select_n3A_163, %or3A_165 : vector<256x1xi32>
    %xor3A_167 = arith.constant -2147483648 : i32
    %xor3A_168 = vector.broadcast %xor3A_167 : i32 to vector<256x1xi32>
    %xor3A_169 = arith.xori %or3A_166, %xor3A_168 : vector<256x1xi32>
    %ge3A_170 = vector.broadcast %xor3A_169 : vector<256x1xi32> to vector<256x4096xi32>
    %ge3A_171 = arith.cmpi sge, %xor3A, %ge3A_170 : vector<256x4096xi32>
    %convert_element_type3A_172 = arith.extui %ge3A_171 : vector<256x4096xi1> to vector<256x4096xi32>
    %reduce_sum3A_173 = arith.constant dense<0> : vector<256xi32>
    %reduce_sum3A_174 = vector.multi_reduction <add>, %convert_element_type3A_172, %reduce_sum3A_173 [1] : vector<256x4096xi32> to vector<256xi32>
    %broadcast_in_dim3A_175 = vector.shape_cast %reduce_sum3A_174 : vector<256xi32> to vector<256x1xi32>
    %ge3A_176 = arith.constant 32 : i32
    %ge3A_177 = vector.broadcast %ge3A_176 : i32 to vector<256x1xi32>
    %ge3A_178 = arith.cmpi sge, %broadcast_in_dim3A_175, %ge3A_177 : vector<256x1xi32>
    %select_n3A_179 = arith.select %ge3A_178, %or3A_166, %select_n3A_163 : vector<256x1xi1>, vector<256x1xi32>
    %or3A_180 = arith.constant 2097152 : i32
    %or3A_181 = vector.broadcast %or3A_180 : i32 to vector<256x1xi32>
    %or3A_182 = arith.ori %select_n3A_179, %or3A_181 : vector<256x1xi32>
    %xor3A_183 = arith.constant -2147483648 : i32
    %xor3A_184 = vector.broadcast %xor3A_183 : i32 to vector<256x1xi32>
    %xor3A_185 = arith.xori %or3A_182, %xor3A_184 : vector<256x1xi32>
    %ge3A_186 = vector.broadcast %xor3A_185 : vector<256x1xi32> to vector<256x4096xi32>
    %ge3A_187 = arith.cmpi sge, %xor3A, %ge3A_186 : vector<256x4096xi32>
    %convert_element_type3A_188 = arith.extui %ge3A_187 : vector<256x4096xi1> to vector<256x4096xi32>
    %reduce_sum3A_189 = arith.constant dense<0> : vector<256xi32>
    %reduce_sum3A_190 = vector.multi_reduction <add>, %convert_element_type3A_188, %reduce_sum3A_189 [1] : vector<256x4096xi32> to vector<256xi32>
    %broadcast_in_dim3A_191 = vector.shape_cast %reduce_sum3A_190 : vector<256xi32> to vector<256x1xi32>
    %ge3A_192 = arith.constant 32 : i32
    %ge3A_193 = vector.broadcast %ge3A_192 : i32 to vector<256x1xi32>
    %ge3A_194 = arith.cmpi sge, %broadcast_in_dim3A_191, %ge3A_193 : vector<256x1xi32>
    %select_n3A_195 = arith.select %ge3A_194, %or3A_182, %select_n3A_179 : vector<256x1xi1>, vector<256x1xi32>
    %or3A_196 = arith.constant 1048576 : i32
    %or3A_197 = vector.broadcast %or3A_196 : i32 to vector<256x1xi32>
    %or3A_198 = arith.ori %select_n3A_195, %or3A_197 : vector<256x1xi32>
    %xor3A_199 = arith.constant -2147483648 : i32
    %xor3A_200 = vector.broadcast %xor3A_199 : i32 to vector<256x1xi32>
    %xor3A_201 = arith.xori %or3A_198, %xor3A_200 : vector<256x1xi32>
    %ge3A_202 = vector.broadcast %xor3A_201 : vector<256x1xi32> to vector<256x4096xi32>
    %ge3A_203 = arith.cmpi sge, %xor3A, %ge3A_202 : vector<256x4096xi32>
    %convert_element_type3A_204 = arith.extui %ge3A_203 : vector<256x4096xi1> to vector<256x4096xi32>
    %reduce_sum3A_205 = arith.constant dense<0> : vector<256xi32>
    %reduce_sum3A_206 = vector.multi_reduction <add>, %convert_element_type3A_204, %reduce_sum3A_205 [1] : vector<256x4096xi32> to vector<256xi32>
    %broadcast_in_dim3A_207 = vector.shape_cast %reduce_sum3A_206 : vector<256xi32> to vector<256x1xi32>
    %ge3A_208 = arith.constant 32 : i32
    %ge3A_209 = vector.broadcast %ge3A_208 : i32 to vector<256x1xi32>
    %ge3A_210 = arith.cmpi sge, %broadcast_in_dim3A_207, %ge3A_209 : vector<256x1xi32>
    %select_n3A_211 = arith.select %ge3A_210, %or3A_198, %select_n3A_195 : vector<256x1xi1>, vector<256x1xi32>
    %or3A_212 = arith.constant 524288 : i32
    %or3A_213 = vector.broadcast %or3A_212 : i32 to vector<256x1xi32>
    %or3A_214 = arith.ori %select_n3A_211, %or3A_213 : vector<256x1xi32>
    %xor3A_215 = arith.constant -2147483648 : i32
    %xor3A_216 = vector.broadcast %xor3A_215 : i32 to vector<256x1xi32>
    %xor3A_217 = arith.xori %or3A_214, %xor3A_216 : vector<256x1xi32>
    %ge3A_218 = vector.broadcast %xor3A_217 : vector<256x1xi32> to vector<256x4096xi32>
    %ge3A_219 = arith.cmpi sge, %xor3A, %ge3A_218 : vector<256x4096xi32>
    %convert_element_type3A_220 = arith.extui %ge3A_219 : vector<256x4096xi1> to vector<256x4096xi32>
    %reduce_sum3A_221 = arith.constant dense<0> : vector<256xi32>
    %reduce_sum3A_222 = vector.multi_reduction <add>, %convert_element_type3A_220, %reduce_sum3A_221 [1] : vector<256x4096xi32> to vector<256xi32>
    %broadcast_in_dim3A_223 = vector.shape_cast %reduce_sum3A_222 : vector<256xi32> to vector<256x1xi32>
    %ge3A_224 = arith.constant 32 : i32
    %ge3A_225 = vector.broadcast %ge3A_224 : i32 to vector<256x1xi32>
    %ge3A_226 = arith.cmpi sge, %broadcast_in_dim3A_223, %ge3A_225 : vector<256x1xi32>
    %select_n3A_227 = arith.select %ge3A_226, %or3A_214, %select_n3A_211 : vector<256x1xi1>, vector<256x1xi32>
    %or3A_228 = arith.constant 262144 : i32
    %or3A_229 = vector.broadcast %or3A_228 : i32 to vector<256x1xi32>
    %or3A_230 = arith.ori %select_n3A_227, %or3A_229 : vector<256x1xi32>
    %xor3A_231 = arith.constant -2147483648 : i32
    %xor3A_232 = vector.broadcast %xor3A_231 : i32 to vector<256x1xi32>
    %xor3A_233 = arith.xori %or3A_230, %xor3A_232 : vector<256x1xi32>
    %ge3A_234 = vector.broadcast %xor3A_233 : vector<256x1xi32> to vector<256x4096xi32>
    %ge3A_235 = arith.cmpi sge, %xor3A, %ge3A_234 : vector<256x4096xi32>
    %convert_element_type3A_236 = arith.extui %ge3A_235 : vector<256x4096xi1> to vector<256x4096xi32>
    %reduce_sum3A_237 = arith.constant dense<0> : vector<256xi32>
    %reduce_sum3A_238 = vector.multi_reduction <add>, %convert_element_type3A_236, %reduce_sum3A_237 [1] : vector<256x4096xi32> to vector<256xi32>
    %broadcast_in_dim3A_239 = vector.shape_cast %reduce_sum3A_238 : vector<256xi32> to vector<256x1xi32>
    %ge3A_240 = arith.constant 32 : i32
    %ge3A_241 = vector.broadcast %ge3A_240 : i32 to vector<256x1xi32>
    %ge3A_242 = arith.cmpi sge, %broadcast_in_dim3A_239, %ge3A_241 : vector<256x1xi32>
    %select_n3A_243 = arith.select %ge3A_242, %or3A_230, %select_n3A_227 : vector<256x1xi1>, vector<256x1xi32>
    %or3A_244 = arith.constant 131072 : i32
    %or3A_245 = vector.broadcast %or3A_244 : i32 to vector<256x1xi32>
    %or3A_246 = arith.ori %select_n3A_243, %or3A_245 : vector<256x1xi32>
    %xor3A_247 = arith.constant -2147483648 : i32
    %xor3A_248 = vector.broadcast %xor3A_247 : i32 to vector<256x1xi32>
    %xor3A_249 = arith.xori %or3A_246, %xor3A_248 : vector<256x1xi32>
    %ge3A_250 = vector.broadcast %xor3A_249 : vector<256x1xi32> to vector<256x4096xi32>
    %ge3A_251 = arith.cmpi sge, %xor3A, %ge3A_250 : vector<256x4096xi32>
    %convert_element_type3A_252 = arith.extui %ge3A_251 : vector<256x4096xi1> to vector<256x4096xi32>
    %reduce_sum3A_253 = arith.constant dense<0> : vector<256xi32>
    %reduce_sum3A_254 = vector.multi_reduction <add>, %convert_element_type3A_252, %reduce_sum3A_253 [1] : vector<256x4096xi32> to vector<256xi32>
    %broadcast_in_dim3A_255 = vector.shape_cast %reduce_sum3A_254 : vector<256xi32> to vector<256x1xi32>
    %ge3A_256 = arith.constant 32 : i32
    %ge3A_257 = vector.broadcast %ge3A_256 : i32 to vector<256x1xi32>
    %ge3A_258 = arith.cmpi sge, %broadcast_in_dim3A_255, %ge3A_257 : vector<256x1xi32>
    %select_n3A_259 = arith.select %ge3A_258, %or3A_246, %select_n3A_243 : vector<256x1xi1>, vector<256x1xi32>
    %or3A_260 = arith.constant 65536 : i32
    %or3A_261 = vector.broadcast %or3A_260 : i32 to vector<256x1xi32>
    %or3A_262 = arith.ori %select_n3A_259, %or3A_261 : vector<256x1xi32>
    %xor3A_263 = arith.constant -2147483648 : i32
    %xor3A_264 = vector.broadcast %xor3A_263 : i32 to vector<256x1xi32>
    %xor3A_265 = arith.xori %or3A_262, %xor3A_264 : vector<256x1xi32>
    %ge3A_266 = vector.broadcast %xor3A_265 : vector<256x1xi32> to vector<256x4096xi32>
    %ge3A_267 = arith.cmpi sge, %xor3A, %ge3A_266 : vector<256x4096xi32>
    %convert_element_type3A_268 = arith.extui %ge3A_267 : vector<256x4096xi1> to vector<256x4096xi32>
    %reduce_sum3A_269 = arith.constant dense<0> : vector<256xi32>
    %reduce_sum3A_270 = vector.multi_reduction <add>, %convert_element_type3A_268, %reduce_sum3A_269 [1] : vector<256x4096xi32> to vector<256xi32>
    %broadcast_in_dim3A_271 = vector.shape_cast %reduce_sum3A_270 : vector<256xi32> to vector<256x1xi32>
    %ge3A_272 = arith.constant 32 : i32
    %ge3A_273 = vector.broadcast %ge3A_272 : i32 to vector<256x1xi32>
    %ge3A_274 = arith.cmpi sge, %broadcast_in_dim3A_271, %ge3A_273 : vector<256x1xi32>
    %select_n3A_275 = arith.select %ge3A_274, %or3A_262, %select_n3A_259 : vector<256x1xi1>, vector<256x1xi32>
    %or3A_276 = arith.constant 32768 : i32
    %or3A_277 = vector.broadcast %or3A_276 : i32 to vector<256x1xi32>
    %or3A_278 = arith.ori %select_n3A_275, %or3A_277 : vector<256x1xi32>
    %xor3A_279 = arith.constant -2147483648 : i32
    %xor3A_280 = vector.broadcast %xor3A_279 : i32 to vector<256x1xi32>
    %xor3A_281 = arith.xori %or3A_278, %xor3A_280 : vector<256x1xi32>
    %ge3A_282 = vector.broadcast %xor3A_281 : vector<256x1xi32> to vector<256x4096xi32>
    %ge3A_283 = arith.cmpi sge, %xor3A, %ge3A_282 : vector<256x4096xi32>
    %convert_element_type3A_284 = arith.extui %ge3A_283 : vector<256x4096xi1> to vector<256x4096xi32>
    %reduce_sum3A_285 = arith.constant dense<0> : vector<256xi32>
    %reduce_sum3A_286 = vector.multi_reduction <add>, %convert_element_type3A_284, %reduce_sum3A_285 [1] : vector<256x4096xi32> to vector<256xi32>
    %broadcast_in_dim3A_287 = vector.shape_cast %reduce_sum3A_286 : vector<256xi32> to vector<256x1xi32>
    %ge3A_288 = arith.constant 32 : i32
    %ge3A_289 = vector.broadcast %ge3A_288 : i32 to vector<256x1xi32>
    %ge3A_290 = arith.cmpi sge, %broadcast_in_dim3A_287, %ge3A_289 : vector<256x1xi32>
    %select_n3A_291 = arith.select %ge3A_290, %or3A_278, %select_n3A_275 : vector<256x1xi1>, vector<256x1xi32>
    %or3A_292 = arith.constant 16384 : i32
    %or3A_293 = vector.broadcast %or3A_292 : i32 to vector<256x1xi32>
    %or3A_294 = arith.ori %select_n3A_291, %or3A_293 : vector<256x1xi32>
    %xor3A_295 = arith.constant -2147483648 : i32
    %xor3A_296 = vector.broadcast %xor3A_295 : i32 to vector<256x1xi32>
    %xor3A_297 = arith.xori %or3A_294, %xor3A_296 : vector<256x1xi32>
    %ge3A_298 = vector.broadcast %xor3A_297 : vector<256x1xi32> to vector<256x4096xi32>
    %ge3A_299 = arith.cmpi sge, %xor3A, %ge3A_298 : vector<256x4096xi32>
    %convert_element_type3A_300 = arith.extui %ge3A_299 : vector<256x4096xi1> to vector<256x4096xi32>
    %reduce_sum3A_301 = arith.constant dense<0> : vector<256xi32>
    %reduce_sum3A_302 = vector.multi_reduction <add>, %convert_element_type3A_300, %reduce_sum3A_301 [1] : vector<256x4096xi32> to vector<256xi32>
    %broadcast_in_dim3A_303 = vector.shape_cast %reduce_sum3A_302 : vector<256xi32> to vector<256x1xi32>
    %ge3A_304 = arith.constant 32 : i32
    %ge3A_305 = vector.broadcast %ge3A_304 : i32 to vector<256x1xi32>
    %ge3A_306 = arith.cmpi sge, %broadcast_in_dim3A_303, %ge3A_305 : vector<256x1xi32>
    %select_n3A_307 = arith.select %ge3A_306, %or3A_294, %select_n3A_291 : vector<256x1xi1>, vector<256x1xi32>
    %or3A_308 = arith.constant 8192 : i32
    %or3A_309 = vector.broadcast %or3A_308 : i32 to vector<256x1xi32>
    %or3A_310 = arith.ori %select_n3A_307, %or3A_309 : vector<256x1xi32>
    %xor3A_311 = arith.constant -2147483648 : i32
    %xor3A_312 = vector.broadcast %xor3A_311 : i32 to vector<256x1xi32>
    %xor3A_313 = arith.xori %or3A_310, %xor3A_312 : vector<256x1xi32>
    %ge3A_314 = vector.broadcast %xor3A_313 : vector<256x1xi32> to vector<256x4096xi32>
    %ge3A_315 = arith.cmpi sge, %xor3A, %ge3A_314 : vector<256x4096xi32>
    %convert_element_type3A_316 = arith.extui %ge3A_315 : vector<256x4096xi1> to vector<256x4096xi32>
    %reduce_sum3A_317 = arith.constant dense<0> : vector<256xi32>
    %reduce_sum3A_318 = vector.multi_reduction <add>, %convert_element_type3A_316, %reduce_sum3A_317 [1] : vector<256x4096xi32> to vector<256xi32>
    %broadcast_in_dim3A_319 = vector.shape_cast %reduce_sum3A_318 : vector<256xi32> to vector<256x1xi32>
    %ge3A_320 = arith.constant 32 : i32
    %ge3A_321 = vector.broadcast %ge3A_320 : i32 to vector<256x1xi32>
    %ge3A_322 = arith.cmpi sge, %broadcast_in_dim3A_319, %ge3A_321 : vector<256x1xi32>
    %select_n3A_323 = arith.select %ge3A_322, %or3A_310, %select_n3A_307 : vector<256x1xi1>, vector<256x1xi32>
    %or3A_324 = arith.constant 4096 : i32
    %or3A_325 = vector.broadcast %or3A_324 : i32 to vector<256x1xi32>
    %or3A_326 = arith.ori %select_n3A_323, %or3A_325 : vector<256x1xi32>
    %xor3A_327 = arith.constant -2147483648 : i32
    %xor3A_328 = vector.broadcast %xor3A_327 : i32 to vector<256x1xi32>
    %xor3A_329 = arith.xori %or3A_326, %xor3A_328 : vector<256x1xi32>
    %ge3A_330 = vector.broadcast %xor3A_329 : vector<256x1xi32> to vector<256x4096xi32>
    %ge3A_331 = arith.cmpi sge, %xor3A, %ge3A_330 : vector<256x4096xi32>
    %convert_element_type3A_332 = arith.extui %ge3A_331 : vector<256x4096xi1> to vector<256x4096xi32>
    %reduce_sum3A_333 = arith.constant dense<0> : vector<256xi32>
    %reduce_sum3A_334 = vector.multi_reduction <add>, %convert_element_type3A_332, %reduce_sum3A_333 [1] : vector<256x4096xi32> to vector<256xi32>
    %broadcast_in_dim3A_335 = vector.shape_cast %reduce_sum3A_334 : vector<256xi32> to vector<256x1xi32>
    %ge3A_336 = arith.constant 32 : i32
    %ge3A_337 = vector.broadcast %ge3A_336 : i32 to vector<256x1xi32>
    %ge3A_338 = arith.cmpi sge, %broadcast_in_dim3A_335, %ge3A_337 : vector<256x1xi32>
    %select_n3A_339 = arith.select %ge3A_338, %or3A_326, %select_n3A_323 : vector<256x1xi1>, vector<256x1xi32>
    %or3A_340 = arith.constant 2048 : i32
    %or3A_341 = vector.broadcast %or3A_340 : i32 to vector<256x1xi32>
    %or3A_342 = arith.ori %select_n3A_339, %or3A_341 : vector<256x1xi32>
    %xor3A_343 = arith.constant -2147483648 : i32
    %xor3A_344 = vector.broadcast %xor3A_343 : i32 to vector<256x1xi32>
    %xor3A_345 = arith.xori %or3A_342, %xor3A_344 : vector<256x1xi32>
    %ge3A_346 = vector.broadcast %xor3A_345 : vector<256x1xi32> to vector<256x4096xi32>
    %ge3A_347 = arith.cmpi sge, %xor3A, %ge3A_346 : vector<256x4096xi32>
    %convert_element_type3A_348 = arith.extui %ge3A_347 : vector<256x4096xi1> to vector<256x4096xi32>
    %reduce_sum3A_349 = arith.constant dense<0> : vector<256xi32>
    %reduce_sum3A_350 = vector.multi_reduction <add>, %convert_element_type3A_348, %reduce_sum3A_349 [1] : vector<256x4096xi32> to vector<256xi32>
    %broadcast_in_dim3A_351 = vector.shape_cast %reduce_sum3A_350 : vector<256xi32> to vector<256x1xi32>
    %ge3A_352 = arith.constant 32 : i32
    %ge3A_353 = vector.broadcast %ge3A_352 : i32 to vector<256x1xi32>
    %ge3A_354 = arith.cmpi sge, %broadcast_in_dim3A_351, %ge3A_353 : vector<256x1xi32>
    %select_n3A_355 = arith.select %ge3A_354, %or3A_342, %select_n3A_339 : vector<256x1xi1>, vector<256x1xi32>
    %or3A_356 = arith.constant 1024 : i32
    %or3A_357 = vector.broadcast %or3A_356 : i32 to vector<256x1xi32>
    %or3A_358 = arith.ori %select_n3A_355, %or3A_357 : vector<256x1xi32>
    %xor3A_359 = arith.constant -2147483648 : i32
    %xor3A_360 = vector.broadcast %xor3A_359 : i32 to vector<256x1xi32>
    %xor3A_361 = arith.xori %or3A_358, %xor3A_360 : vector<256x1xi32>
    %ge3A_362 = vector.broadcast %xor3A_361 : vector<256x1xi32> to vector<256x4096xi32>
    %ge3A_363 = arith.cmpi sge, %xor3A, %ge3A_362 : vector<256x4096xi32>
    %convert_element_type3A_364 = arith.extui %ge3A_363 : vector<256x4096xi1> to vector<256x4096xi32>
    %reduce_sum3A_365 = arith.constant dense<0> : vector<256xi32>
    %reduce_sum3A_366 = vector.multi_reduction <add>, %convert_element_type3A_364, %reduce_sum3A_365 [1] : vector<256x4096xi32> to vector<256xi32>
    %broadcast_in_dim3A_367 = vector.shape_cast %reduce_sum3A_366 : vector<256xi32> to vector<256x1xi32>
    %ge3A_368 = arith.constant 32 : i32
    %ge3A_369 = vector.broadcast %ge3A_368 : i32 to vector<256x1xi32>
    %ge3A_370 = arith.cmpi sge, %broadcast_in_dim3A_367, %ge3A_369 : vector<256x1xi32>
    %select_n3A_371 = arith.select %ge3A_370, %or3A_358, %select_n3A_355 : vector<256x1xi1>, vector<256x1xi32>
    %or3A_372 = arith.constant 512 : i32
    %or3A_373 = vector.broadcast %or3A_372 : i32 to vector<256x1xi32>
    %or3A_374 = arith.ori %select_n3A_371, %or3A_373 : vector<256x1xi32>
    %xor3A_375 = arith.constant -2147483648 : i32
    %xor3A_376 = vector.broadcast %xor3A_375 : i32 to vector<256x1xi32>
    %xor3A_377 = arith.xori %or3A_374, %xor3A_376 : vector<256x1xi32>
    %ge3A_378 = vector.broadcast %xor3A_377 : vector<256x1xi32> to vector<256x4096xi32>
    %ge3A_379 = arith.cmpi sge, %xor3A, %ge3A_378 : vector<256x4096xi32>
    %convert_element_type3A_380 = arith.extui %ge3A_379 : vector<256x4096xi1> to vector<256x4096xi32>
    %reduce_sum3A_381 = arith.constant dense<0> : vector<256xi32>
    %reduce_sum3A_382 = vector.multi_reduction <add>, %convert_element_type3A_380, %reduce_sum3A_381 [1] : vector<256x4096xi32> to vector<256xi32>
    %broadcast_in_dim3A_383 = vector.shape_cast %reduce_sum3A_382 : vector<256xi32> to vector<256x1xi32>
    %ge3A_384 = arith.constant 32 : i32
    %ge3A_385 = vector.broadcast %ge3A_384 : i32 to vector<256x1xi32>
    %ge3A_386 = arith.cmpi sge, %broadcast_in_dim3A_383, %ge3A_385 : vector<256x1xi32>
    %select_n3A_387 = arith.select %ge3A_386, %or3A_374, %select_n3A_371 : vector<256x1xi1>, vector<256x1xi32>
    %or3A_388 = arith.constant 256 : i32
    %or3A_389 = vector.broadcast %or3A_388 : i32 to vector<256x1xi32>
    %or3A_390 = arith.ori %select_n3A_387, %or3A_389 : vector<256x1xi32>
    %xor3A_391 = arith.constant -2147483648 : i32
    %xor3A_392 = vector.broadcast %xor3A_391 : i32 to vector<256x1xi32>
    %xor3A_393 = arith.xori %or3A_390, %xor3A_392 : vector<256x1xi32>
    %ge3A_394 = vector.broadcast %xor3A_393 : vector<256x1xi32> to vector<256x4096xi32>
    %ge3A_395 = arith.cmpi sge, %xor3A, %ge3A_394 : vector<256x4096xi32>
    %convert_element_type3A_396 = arith.extui %ge3A_395 : vector<256x4096xi1> to vector<256x4096xi32>
    %reduce_sum3A_397 = arith.constant dense<0> : vector<256xi32>
    %reduce_sum3A_398 = vector.multi_reduction <add>, %convert_element_type3A_396, %reduce_sum3A_397 [1] : vector<256x4096xi32> to vector<256xi32>
    %broadcast_in_dim3A_399 = vector.shape_cast %reduce_sum3A_398 : vector<256xi32> to vector<256x1xi32>
    %ge3A_400 = arith.constant 32 : i32
    %ge3A_401 = vector.broadcast %ge3A_400 : i32 to vector<256x1xi32>
    %ge3A_402 = arith.cmpi sge, %broadcast_in_dim3A_399, %ge3A_401 : vector<256x1xi32>
    %select_n3A_403 = arith.select %ge3A_402, %or3A_390, %select_n3A_387 : vector<256x1xi1>, vector<256x1xi32>
    %or3A_404 = arith.constant 128 : i32
    %or3A_405 = vector.broadcast %or3A_404 : i32 to vector<256x1xi32>
    %or3A_406 = arith.ori %select_n3A_403, %or3A_405 : vector<256x1xi32>
    %xor3A_407 = arith.constant -2147483648 : i32
    %xor3A_408 = vector.broadcast %xor3A_407 : i32 to vector<256x1xi32>
    %xor3A_409 = arith.xori %or3A_406, %xor3A_408 : vector<256x1xi32>
    %ge3A_410 = vector.broadcast %xor3A_409 : vector<256x1xi32> to vector<256x4096xi32>
    %ge3A_411 = arith.cmpi sge, %xor3A, %ge3A_410 : vector<256x4096xi32>
    %convert_element_type3A_412 = arith.extui %ge3A_411 : vector<256x4096xi1> to vector<256x4096xi32>
    %reduce_sum3A_413 = arith.constant dense<0> : vector<256xi32>
    %reduce_sum3A_414 = vector.multi_reduction <add>, %convert_element_type3A_412, %reduce_sum3A_413 [1] : vector<256x4096xi32> to vector<256xi32>
    %broadcast_in_dim3A_415 = vector.shape_cast %reduce_sum3A_414 : vector<256xi32> to vector<256x1xi32>
    %ge3A_416 = arith.constant 32 : i32
    %ge3A_417 = vector.broadcast %ge3A_416 : i32 to vector<256x1xi32>
    %ge3A_418 = arith.cmpi sge, %broadcast_in_dim3A_415, %ge3A_417 : vector<256x1xi32>
    %select_n3A_419 = arith.select %ge3A_418, %or3A_406, %select_n3A_403 : vector<256x1xi1>, vector<256x1xi32>
    %or3A_420 = arith.constant 64 : i32
    %or3A_421 = vector.broadcast %or3A_420 : i32 to vector<256x1xi32>
    %or3A_422 = arith.ori %select_n3A_419, %or3A_421 : vector<256x1xi32>
    %xor3A_423 = arith.constant -2147483648 : i32
    %xor3A_424 = vector.broadcast %xor3A_423 : i32 to vector<256x1xi32>
    %xor3A_425 = arith.xori %or3A_422, %xor3A_424 : vector<256x1xi32>
    %ge3A_426 = vector.broadcast %xor3A_425 : vector<256x1xi32> to vector<256x4096xi32>
    %ge3A_427 = arith.cmpi sge, %xor3A, %ge3A_426 : vector<256x4096xi32>
    %convert_element_type3A_428 = arith.extui %ge3A_427 : vector<256x4096xi1> to vector<256x4096xi32>
    %reduce_sum3A_429 = arith.constant dense<0> : vector<256xi32>
    %reduce_sum3A_430 = vector.multi_reduction <add>, %convert_element_type3A_428, %reduce_sum3A_429 [1] : vector<256x4096xi32> to vector<256xi32>
    %broadcast_in_dim3A_431 = vector.shape_cast %reduce_sum3A_430 : vector<256xi32> to vector<256x1xi32>
    %ge3A_432 = arith.constant 32 : i32
    %ge3A_433 = vector.broadcast %ge3A_432 : i32 to vector<256x1xi32>
    %ge3A_434 = arith.cmpi sge, %broadcast_in_dim3A_431, %ge3A_433 : vector<256x1xi32>
    %select_n3A_435 = arith.select %ge3A_434, %or3A_422, %select_n3A_419 : vector<256x1xi1>, vector<256x1xi32>
    %or3A_436 = arith.constant 32 : i32
    %or3A_437 = vector.broadcast %or3A_436 : i32 to vector<256x1xi32>
    %or3A_438 = arith.ori %select_n3A_435, %or3A_437 : vector<256x1xi32>
    %xor3A_439 = arith.constant -2147483648 : i32
    %xor3A_440 = vector.broadcast %xor3A_439 : i32 to vector<256x1xi32>
    %xor3A_441 = arith.xori %or3A_438, %xor3A_440 : vector<256x1xi32>
    %ge3A_442 = vector.broadcast %xor3A_441 : vector<256x1xi32> to vector<256x4096xi32>
    %ge3A_443 = arith.cmpi sge, %xor3A, %ge3A_442 : vector<256x4096xi32>
    %convert_element_type3A_444 = arith.extui %ge3A_443 : vector<256x4096xi1> to vector<256x4096xi32>
    %reduce_sum3A_445 = arith.constant dense<0> : vector<256xi32>
    %reduce_sum3A_446 = vector.multi_reduction <add>, %convert_element_type3A_444, %reduce_sum3A_445 [1] : vector<256x4096xi32> to vector<256xi32>
    %broadcast_in_dim3A_447 = vector.shape_cast %reduce_sum3A_446 : vector<256xi32> to vector<256x1xi32>
    %ge3A_448 = arith.constant 32 : i32
    %ge3A_449 = vector.broadcast %ge3A_448 : i32 to vector<256x1xi32>
    %ge3A_450 = arith.cmpi sge, %broadcast_in_dim3A_447, %ge3A_449 : vector<256x1xi32>
    %select_n3A_451 = arith.select %ge3A_450, %or3A_438, %select_n3A_435 : vector<256x1xi1>, vector<256x1xi32>
    %or3A_452 = arith.constant 16 : i32
    %or3A_453 = vector.broadcast %or3A_452 : i32 to vector<256x1xi32>
    %or3A_454 = arith.ori %select_n3A_451, %or3A_453 : vector<256x1xi32>
    %xor3A_455 = arith.constant -2147483648 : i32
    %xor3A_456 = vector.broadcast %xor3A_455 : i32 to vector<256x1xi32>
    %xor3A_457 = arith.xori %or3A_454, %xor3A_456 : vector<256x1xi32>
    %ge3A_458 = vector.broadcast %xor3A_457 : vector<256x1xi32> to vector<256x4096xi32>
    %ge3A_459 = arith.cmpi sge, %xor3A, %ge3A_458 : vector<256x4096xi32>
    %convert_element_type3A_460 = arith.extui %ge3A_459 : vector<256x4096xi1> to vector<256x4096xi32>
    %reduce_sum3A_461 = arith.constant dense<0> : vector<256xi32>
    %reduce_sum3A_462 = vector.multi_reduction <add>, %convert_element_type3A_460, %reduce_sum3A_461 [1] : vector<256x4096xi32> to vector<256xi32>
    %broadcast_in_dim3A_463 = vector.shape_cast %reduce_sum3A_462 : vector<256xi32> to vector<256x1xi32>
    %ge3A_464 = arith.constant 32 : i32
    %ge3A_465 = vector.broadcast %ge3A_464 : i32 to vector<256x1xi32>
    %ge3A_466 = arith.cmpi sge, %broadcast_in_dim3A_463, %ge3A_465 : vector<256x1xi32>
    %select_n3A_467 = arith.select %ge3A_466, %or3A_454, %select_n3A_451 : vector<256x1xi1>, vector<256x1xi32>
    %or3A_468 = arith.constant 8 : i32
    %or3A_469 = vector.broadcast %or3A_468 : i32 to vector<256x1xi32>
    %or3A_470 = arith.ori %select_n3A_467, %or3A_469 : vector<256x1xi32>
    %xor3A_471 = arith.constant -2147483648 : i32
    %xor3A_472 = vector.broadcast %xor3A_471 : i32 to vector<256x1xi32>
    %xor3A_473 = arith.xori %or3A_470, %xor3A_472 : vector<256x1xi32>
    %ge3A_474 = vector.broadcast %xor3A_473 : vector<256x1xi32> to vector<256x4096xi32>
    %ge3A_475 = arith.cmpi sge, %xor3A, %ge3A_474 : vector<256x4096xi32>
    %convert_element_type3A_476 = arith.extui %ge3A_475 : vector<256x4096xi1> to vector<256x4096xi32>
    %reduce_sum3A_477 = arith.constant dense<0> : vector<256xi32>
    %reduce_sum3A_478 = vector.multi_reduction <add>, %convert_element_type3A_476, %reduce_sum3A_477 [1] : vector<256x4096xi32> to vector<256xi32>
    %broadcast_in_dim3A_479 = vector.shape_cast %reduce_sum3A_478 : vector<256xi32> to vector<256x1xi32>
    %ge3A_480 = arith.constant 32 : i32
    %ge3A_481 = vector.broadcast %ge3A_480 : i32 to vector<256x1xi32>
    %ge3A_482 = arith.cmpi sge, %broadcast_in_dim3A_479, %ge3A_481 : vector<256x1xi32>
    %select_n3A_483 = arith.select %ge3A_482, %or3A_470, %select_n3A_467 : vector<256x1xi1>, vector<256x1xi32>
    %or3A_484 = arith.constant 4 : i32
    %or3A_485 = vector.broadcast %or3A_484 : i32 to vector<256x1xi32>
    %or3A_486 = arith.ori %select_n3A_483, %or3A_485 : vector<256x1xi32>
    %xor3A_487 = arith.constant -2147483648 : i32
    %xor3A_488 = vector.broadcast %xor3A_487 : i32 to vector<256x1xi32>
    %xor3A_489 = arith.xori %or3A_486, %xor3A_488 : vector<256x1xi32>
    %ge3A_490 = vector.broadcast %xor3A_489 : vector<256x1xi32> to vector<256x4096xi32>
    %ge3A_491 = arith.cmpi sge, %xor3A, %ge3A_490 : vector<256x4096xi32>
    %convert_element_type3A_492 = arith.extui %ge3A_491 : vector<256x4096xi1> to vector<256x4096xi32>
    %reduce_sum3A_493 = arith.constant dense<0> : vector<256xi32>
    %reduce_sum3A_494 = vector.multi_reduction <add>, %convert_element_type3A_492, %reduce_sum3A_493 [1] : vector<256x4096xi32> to vector<256xi32>
    %broadcast_in_dim3A_495 = vector.shape_cast %reduce_sum3A_494 : vector<256xi32> to vector<256x1xi32>
    %ge3A_496 = arith.constant 32 : i32
    %ge3A_497 = vector.broadcast %ge3A_496 : i32 to vector<256x1xi32>
    %ge3A_498 = arith.cmpi sge, %broadcast_in_dim3A_495, %ge3A_497 : vector<256x1xi32>
    %select_n3A_499 = arith.select %ge3A_498, %or3A_486, %select_n3A_483 : vector<256x1xi1>, vector<256x1xi32>
    %or3A_500 = arith.constant 2 : i32
    %or3A_501 = vector.broadcast %or3A_500 : i32 to vector<256x1xi32>
    %or3A_502 = arith.ori %select_n3A_499, %or3A_501 : vector<256x1xi32>
    %xor3A_503 = arith.constant -2147483648 : i32
    %xor3A_504 = vector.broadcast %xor3A_503 : i32 to vector<256x1xi32>
    %xor3A_505 = arith.xori %or3A_502, %xor3A_504 : vector<256x1xi32>
    %ge3A_506 = vector.broadcast %xor3A_505 : vector<256x1xi32> to vector<256x4096xi32>
    %ge3A_507 = arith.cmpi sge, %xor3A, %ge3A_506 : vector<256x4096xi32>
    %convert_element_type3A_508 = arith.extui %ge3A_507 : vector<256x4096xi1> to vector<256x4096xi32>
    %reduce_sum3A_509 = arith.constant dense<0> : vector<256xi32>
    %reduce_sum3A_510 = vector.multi_reduction <add>, %convert_element_type3A_508, %reduce_sum3A_509 [1] : vector<256x4096xi32> to vector<256xi32>
    %broadcast_in_dim3A_511 = vector.shape_cast %reduce_sum3A_510 : vector<256xi32> to vector<256x1xi32>
    %ge3A_512 = arith.constant 32 : i32
    %ge3A_513 = vector.broadcast %ge3A_512 : i32 to vector<256x1xi32>
    %ge3A_514 = arith.cmpi sge, %broadcast_in_dim3A_511, %ge3A_513 : vector<256x1xi32>
    %select_n3A_515 = arith.select %ge3A_514, %or3A_502, %select_n3A_499 : vector<256x1xi1>, vector<256x1xi32>
    %or3A_516 = arith.constant 1 : i32
    %or3A_517 = vector.broadcast %or3A_516 : i32 to vector<256x1xi32>
    %or3A_518 = arith.ori %select_n3A_515, %or3A_517 : vector<256x1xi32>
    %xor3A_519 = arith.constant -2147483648 : i32
    %xor3A_520 = vector.broadcast %xor3A_519 : i32 to vector<256x1xi32>
    %xor3A_521 = arith.xori %or3A_518, %xor3A_520 : vector<256x1xi32>
    %ge3A_522 = vector.broadcast %xor3A_521 : vector<256x1xi32> to vector<256x4096xi32>
    %ge3A_523 = arith.cmpi sge, %xor3A, %ge3A_522 : vector<256x4096xi32>
    %convert_element_type3A_524 = arith.extui %ge3A_523 : vector<256x4096xi1> to vector<256x4096xi32>
    %reduce_sum3A_525 = arith.constant dense<0> : vector<256xi32>
    %reduce_sum3A_526 = vector.multi_reduction <add>, %convert_element_type3A_524, %reduce_sum3A_525 [1] : vector<256x4096xi32> to vector<256xi32>
    %broadcast_in_dim3A_527 = vector.shape_cast %reduce_sum3A_526 : vector<256xi32> to vector<256x1xi32>
    %ge3A_528 = arith.constant 32 : i32
    %ge3A_529 = vector.broadcast %ge3A_528 : i32 to vector<256x1xi32>
    %ge3A_530 = arith.cmpi sge, %broadcast_in_dim3A_527, %ge3A_529 : vector<256x1xi32>
    %select_n3A_531 = arith.select %ge3A_530, %or3A_518, %select_n3A_515 : vector<256x1xi1>, vector<256x1xi32>
    %xor3A_532 = arith.constant -2147483648 : i32
    %xor3A_533 = vector.broadcast %xor3A_532 : i32 to vector<256x1xi32>
    %xor3A_534 = arith.xori %select_n3A_531, %xor3A_533 : vector<256x1xi32>
    %ge3A_535 = vector.broadcast %xor3A_534 : vector<256x1xi32> to vector<256x4096xi32>
    %ge3A_536 = arith.cmpi sge, %xor3A, %ge3A_535 : vector<256x4096xi32>
    %gt3A = arith.constant 0.000000e+00 : f32
    %gt3A_537 = vector.broadcast %gt3A : f32 to vector<256x4096xf32>
    %gt3A_538 = arith.cmpf ogt, %add3A_19, %gt3A_537 : vector<256x4096xf32>
    %and3A_539 = arith.andi %ge3A_536, %gt3A_538 : vector<256x4096xi1>
    %jit3A = arith.constant 0.000000e+00 : f32
    %broadcast_in_dim3A_540 = vector.broadcast %jit3A : f32 to vector<256x4096xf32>
    %select_n3A_541 = arith.select %and3A_539, %add3A_19, %broadcast_in_dim3A_540 : vector<256x4096xi1>, vector<256x4096xf32>
    %swap3A = arith.constant 0 : index
    %swap3A_542 = arith.constant 0 : index
    %swap3A_543 = vector.load %arg6[%swap3A, %swap3A_542] : memref<256x4096xf32, #tpu.memory_space<vmem>>, vector<256x4096xf32>
    tpu.vector_store %arg6[%swap3A, %swap3A_542], %select_n3A_541 {strides = array<i32>} : memref<256x4096xf32, #tpu.memory_space<vmem>>, vector<256x4096xf32>,
    return
  }
  func.func @transform_0(%arg0: i32, %arg1: i32) -> (i32, i32) {
    %c0_i32 = arith.constant 0 : i32
    return %arg1, %arg0 : i32, i32
  }
  func.func @transform_1(%arg0: i32, %arg1: i32) -> (i32, i32, i32) {
    %c0_i32 = arith.constant 0 : i32
    %c0_i32_0 = arith.constant 0 : i32
    %c0_i32_1 = arith.constant 0 : i32
    return %arg0, %c0_i32, %c0_i32_0 : i32, i32, i32
  }
  func.func @transform_2(%arg0: i32, %arg1: i32) -> (i32, i32, i32) {
    %c0_i32 = arith.constant 0 : i32
    %c0_i32_0 = arith.constant 0 : i32
    %c0_i32_1 = arith.constant 0 : i32
    return %arg0, %c0_i32, %c0_i32_0 : i32, i32, i32
  }
  func.func @transform_3(%arg0: i32, %arg1: i32) -> (i32, i32, i32) {
    %c0_i32 = arith.constant 0 : i32
    %c0_i32_0 = arith.constant 0 : i32
    %c0_i32_1 = arith.constant 0 : i32
    return %arg0, %c0_i32, %c0_i32_0 : i32, i32, i32
  }
  func.func @transform_4(%arg0: i32, %arg1: i32) -> (i32, i32) {
    %c0_i32 = arith.constant 0 : i32
    return %arg1, %arg0 : i32, i32
  }
}

module attributes {stable_mosaic.version = 14 : i64} {
  func.func @_decode_kernel(%arg0: i32, %arg1: i32, %arg2: memref<256x4096xf32, #tpu.memory_space<vmem>>, %arg3: memref<256x1024xf32, #tpu.memory_space<vmem>>, %arg4: memref<1x1024x4096xf32, #tpu.memory_space<vmem>>, %arg5: memref<1x1x1024xf32, #tpu.memory_space<vmem>>, %arg6: memref<256x1024xf32, #tpu.memory_space<vmem>>, %arg7: memref<1x1xf32, #tpu.memory_space<vmem>>) attributes {dimension_semantics = [#tpu.dimension_semantics<arbitrary>, #tpu.dimension_semantics<arbitrary>], iteration_bounds = array<i64: 8, 4>, scalar_prefetch = 0 : i64, scratch_operands = 0 : i64, tpu.core_type = #tpu.core_type<tc>, window_params = [{transform_indices = @transform_0, window_bounds = array<i64: 256, 4096>}, {transform_indices = @transform_1, window_bounds = array<i64: 256, 1024>}, {transform_indices = @transform_2, window_bounds = array<i64: 1, 1024, 4096>}, {transform_indices = @transform_3, window_bounds = array<i64: 1, 1, 1024>}, {transform_indices = @transform_4, window_bounds = array<i64: 256, 1024>}, {pipeline_mode = #tpu.pipeline_mode<synchronous>, transform_indices = @transform_5, window_bounds = array<i64: 1, 1>}]} {
    %get3A = arith.constant 0 : index
    %get3A_0 = arith.constant 0 : index
    %get3A_1 = vector.load %arg2[%get3A, %get3A_0] : memref<256x4096xf32, #tpu.memory_space<vmem>>, vector<256x4096xf32>
    %get3A_2 = arith.constant 0 : index
    %get3A_3 = arith.constant 0 : index
    %get3A_4 = arith.constant 0 : index
    %get3A_5 = vector.load %arg4[%get3A_2, %get3A_3, %get3A_4] : memref<1x1024x4096xf32, #tpu.memory_space<vmem>>, vector<1x1024x4096xf32>
    %get3A_6 = vector.shape_cast %get3A_5 : vector<1x1024x4096xf32> to vector<1024x4096xf32>
    %dot_general3A = arith.constant dense<0.000000e+00> : vector<256x1024xf32>
    %dot_general3A_7 = tpu.matmul %get3A_1, %get3A_6, %dot_general3A {dimension_numbers = #tpu.dot_dimension_numbers<[1], [1], [0], [0], [0, 0, 1, 0], [], []>, transpose_lhs_hint = false} : vector<256x4096xf32>, vector<1024x4096xf32>, vector<256x1024xf32> -> vector<256x1024xf32>
    %get3A_8 = arith.constant 0 : index
    %get3A_9 = arith.constant 0 : index
    %get3A_10 = arith.constant 0 : index
    %get3A_11 = vector.load %arg5[%get3A_8, %get3A_9, %get3A_10] : memref<1x1x1024xf32, #tpu.memory_space<vmem>>, vector<1x1x1024xf32>
    %get3A_12 = vector.shape_cast %get3A_11 : vector<1x1x1024xf32> to vector<1x1024xf32>
    %add3A = vector.broadcast %get3A_12 : vector<1x1024xf32> to vector<256x1024xf32>
    %add3A_13 = arith.addf %dot_general3A_7, %add3A : vector<256x1024xf32>
    %swap3A = arith.constant 0 : index
    %swap3A_14 = arith.constant 0 : index
    %swap3A_15 = vector.load %arg6[%swap3A, %swap3A_14] : memref<256x1024xf32, #tpu.memory_space<vmem>>, vector<256x1024xf32>
    tpu.vector_store %arg6[%swap3A, %swap3A_14], %add3A_13 {strides = array<i32>} : memref<256x1024xf32, #tpu.memory_space<vmem>>, vector<256x1024xf32>,
    %get3A_16 = arith.constant 0 : index
    %get3A_17 = arith.constant 0 : index
    %get3A_18 = vector.load %arg3[%get3A_16, %get3A_17] : memref<256x1024xf32, #tpu.memory_space<vmem>>, vector<256x1024xf32>
    %sub3A = arith.subf %add3A_13, %get3A_18 : vector<256x1024xf32>
    %eq3A = arith.constant 0 : i32
    %eq3A_19 = arith.cmpi eq, %arg0, %eq3A : i32
    %eq3A_20 = arith.constant 0 : i32
    %eq3A_21 = arith.cmpi eq, %arg1, %eq3A_20 : i32
    %and3A = arith.andi %eq3A_19, %eq3A_21 : i1
    %convert_element_type3A = arith.extui %and3A : i1 to i32
    %cond3A = arith.constant 0 : i32
    %cond3A_22 = arith.cmpi ne, %convert_element_type3A, %cond3A : i32
    scf.if %cond3A_22 {
      %broadcast_in_dim3A = arith.constant 0.000000e+00 : f32
      %broadcast_in_dim3A_34 = vector.broadcast %broadcast_in_dim3A : f32 to vector<1x1xf32>
      %swap3A_35 = arith.constant 0 : index
      %swap3A_36 = arith.constant 0 : index
      %swap3A_37 = vector.load %arg7[%swap3A_35, %swap3A_36] : memref<1x1xf32, #tpu.memory_space<vmem>>, vector<1x1xf32>
      tpu.vector_store %arg7[%swap3A_35, %swap3A_36], %broadcast_in_dim3A_34 {strides = array<i32>} : memref<1x1xf32, #tpu.memory_space<vmem>>, vector<1x1xf32>,
    } else {
    }
    %get3A_23 = arith.constant 0 : index
    %get3A_24 = arith.constant 0 : index
    %get3A_25 = vector.load %arg7[%get3A_23, %get3A_24] : memref<1x1xf32, #tpu.memory_space<vmem>>, vector<1x1xf32>
    %mul3A = arith.mulf %sub3A, %sub3A : vector<256x1024xf32>
    %reduce_sum3A = vector.shape_cast %mul3A : vector<256x1024xf32> to vector<1x256x1024xf32>
    %reduce_sum3A_26 = arith.constant dense<0.000000e+00> : vector<1xf32>
    %reduce_sum3A_27 = vector.multi_reduction <add>, %reduce_sum3A, %reduce_sum3A_26 [1, 2] : vector<1x256x1024xf32> to vector<1xf32>
    %reduce_sum3A_28 = vector.shape_cast %reduce_sum3A_27 : vector<1xf32> to vector<1x1x1xf32>
    %reduce_sum3A_29 = vector.extract %reduce_sum3A_28[0, 0, 0] : f32 from vector<1x1x1xf32>
    %reshape3A = vector.broadcast %reduce_sum3A_29 : f32 to vector<1x1xf32>
    %add3A_30 = arith.addf %get3A_25, %reshape3A : vector<1x1xf32>
    %swap3A_31 = arith.constant 0 : index
    %swap3A_32 = arith.constant 0 : index
    %swap3A_33 = vector.load %arg7[%swap3A_31, %swap3A_32] : memref<1x1xf32, #tpu.memory_space<vmem>>, vector<1x1xf32>
    tpu.vector_store %arg7[%swap3A_31, %swap3A_32], %add3A_30 {strides = array<i32>} : memref<1x1xf32, #tpu.memory_space<vmem>>, vector<1x1xf32>,
    return
  }
  func.func @transform_0(%arg0: i32, %arg1: i32) -> (i32, i32) {
    %c0_i32 = arith.constant 0 : i32
    return %arg1, %arg0 : i32, i32
  }
  func.func @transform_1(%arg0: i32, %arg1: i32) -> (i32, i32) {
    %c0_i32 = arith.constant 0 : i32
    return %arg1, %arg0 : i32, i32
  }
  func.func @transform_2(%arg0: i32, %arg1: i32) -> (i32, i32, i32) {
    %c0_i32 = arith.constant 0 : i32
    %c0_i32_0 = arith.constant 0 : i32
    %c0_i32_1 = arith.constant 0 : i32
    return %arg0, %c0_i32, %c0_i32_0 : i32, i32, i32
  }
  func.func @transform_3(%arg0: i32, %arg1: i32) -> (i32, i32, i32) {
    %c0_i32 = arith.constant 0 : i32
    %c0_i32_0 = arith.constant 0 : i32
    %c0_i32_1 = arith.constant 0 : i32
    return %arg0, %c0_i32, %c0_i32_0 : i32, i32, i32
  }
  func.func @transform_4(%arg0: i32, %arg1: i32) -> (i32, i32) {
    %c0_i32 = arith.constant 0 : i32
    return %arg1, %arg0 : i32, i32
  }
  func.func @transform_5(%arg0: i32, %arg1: i32) -> (i32, i32) {
    %c0_i32 = arith.constant 0 : i32
    %c0_i32_0 = arith.constant 0 : i32
    %c0_i32_1 = arith.constant 0 : i32
    return %c0_i32, %c0_i32_0 : i32, i32
  }
}

</mosaic_0001>

<sc_bundles>
// kernel: sparse-core-data-format-call.1.cloned.1.call-start
scs
called_computation.1_lowered:
.L_overlay_start_0:
0x0: {  	s2 =	sld [smem:$0x3FD9]  }
0x1: {  	s3 =	sld [smem:$0x3FFE];
	_ =	sdelay $0x1  }
0x2: {  	s1 =	srdreg.scid  }
0x3: {  	s0 =	sand.u32 $0x1, s1  }
0x4: {  	s15 =	sshll.u32 s0, $0xA;
	s2 =	sadd.s32 s3, s2  }
0x5: {  	s2 =	sadd.s32 s2, s15  }
0x6: {  	[smem:$0x3FC3] =	sst s2  }
0x7: {  	_ = 	snop  }
0x8: {  	s2 =	sld [smem:$0x3FD0];
	_ =	sdelay $0x2  }
0x9: {  	s16 =	simm.s32 $0xB;
	s4 =	simm.s32 $0x10  }
0xa: {  	[smem:s4], [sflag:s16] =	dma.local [hbm:s2], $0x1  }
0xb: {  	_ =	swait.eq [sflag:s16], $0x1  }
0xc: {  	[sflag:s16] =	ssyncset.done $0x0  }
0xd: {  	[sflag:s16] =	ssyncadd.s32 $0xFFFFFFFF  }
0xe: {  	s17 =	sld [smem:$0x11];
	(tm) =	ssettm $0x1  }
0xf: {  	s18 =	sld [smem:$0x3FFB];
	_ =	sdelay $0x3  }
0x10: {  	_ =	strace s18  }
0x11: {  	s3 =	sld [smem:$0x3FFC];
	_ =	sdelay $0x3  }
0x12: {  	_ =	strace s3  }
0x13: {  	s3 =	sld [smem:$0x3FFD];
	_ =	sdelay $0x3  }
0x14: {  	_ =	strace s3  }
0x15: {  	_ =	strace $0x8FFFFFFF  }
0x16: {  	s19 =	sld [smem:$0x3FDB];
	_ =	sdelay $0x1  }
0x17: {  	s20 =	simm.s32 $_scs_section_size  }
0x18: {  	s5 =	simm.s32 $_size__tile_overlayer_lowered;
	s6 =	simm.s32 $_tile_overlayer_lowered  }
0x19: {  	s23 =	simm.s32 $0x1BFF;
	s22 =	sshll.u32 s6, $0x1;
	s3 =	sadd.s32 s20, s19  }
0x1a: {  	s7 =	simm.s32 $0x0;
	s21 =	sshll.u32 s5, $0x1;
	s5 =	sadd.s32 s22, s3  }
0x1b: {  	[timem:s7], [sflag:s23] =	dma.local [hbm:s5], s21  }
0x1c: {  	_ =	swait.ge [sflag:s23], s21  }
0x1d: {  	s4 =	ssub.s32 $0x0, s21;
	[sflag:s23] =	ssyncset.done $0x0  }
0x1e: {  	[sflag:s23] =	ssyncadd.s32 s4;
	_ =	sdelay $0x1  }
0x1f: {  	s24 =	simm.s32 $0x1B8B  }
0x20: {  	_ =	swait.ge [sflag:s24], $0x1  }
0x21: {  	[sflag:s24] =	ssyncset.done $0x0  }
0x22: {  	s26 =	simm.s32 $0x1B8E;
	s25 =	sld [smem:$0x3FFE];
	[sflag:s24] =	ssyncadd.s32 $0xFFFFFFFF  }
0x23: {  	s27 =	simm.s32 $execute0_lowered;
	[smem:$0x3FD2] =	sst s26  }
0x24: {  	s5 =	sshll.u32 s27, $0x1;
	_ =	strace $0x80000049;
	[dreg:$0x1] =	wrdreg $0xFFFFFFFF  }
0x25: {  	s28 =	simm.s32 $_size_execute0_lowered;
	s3 =	sadd.s32 s3, s5;
	[dreg:$0x0] =	wrdreg $0x0  }
0x26: {  	s5 =	sshll.u32 s28, $0x1;
	[dreg:$0x2] =	wrdreg s3  }
0x27: {  	[dreg:$0x3] =	wrdreg s5  }
0x28: {  	[dreg:$0x4] =	wrdreg $0xC0  }
0x29: {  	_ =	task [dreg:s7], $0x5FFFF  }
0x2a: {  	[dreg:$0x1] =	wrdreg $0xFFFFFFFF  }
0x2b: {  	[dreg:$0x0] =	wrdreg $0x60  }
0x2c: {  	[dreg:$0x2] =	wrdreg s25  }
0x2d: {  	[dreg:$0x3] =	wrdreg s17  }
0x2e: {  	[dreg:$0x4] =	wrdreg $0xA  }
0x2f: {  	_ =	task.clear_ibuf [dreg:s7], $0x5FFFF;
	_ =	strace $0x90000049  }
0x30: {  	s29 =	simm.s32 $0xA;
	_ =	strace $0x8000004B  }
0x31: {  	_ =	swait.ge [sflag:s29], $0x1  }
0x32: {  	[sflag:s29] =	ssyncadd.s32 $0xFFFFFFFF  }
0x33: {  	_ =	strace $0x9000004B  }
0x34: {  	_ =	sfence  }
0x35: {  	s30 =	sld [smem:$0x0];
	_ =	sdelay $0x2  }
0x36: {  	s31 =	sshll.u32 s1, $0xD;
	s1 =	sshrl.u32 s1, $0x2  }
0x37: {  	s3 =	sand.u32 $0x4000, s31;
	s1 =	sadd.s32 s1, s30  }
0x38: {  	s0 =	sor.u32 s3, s0;
	s1 =	sshll.u32 s1, $0x11  }
0x39: {  	s0 =	sor.u32 s1, s0  }
0x3a: {  	s0 =	sadd.s32 $0x8F2B, s0  }
0x3b: {  	[sflag:s0] =	ssyncadd.remote.s32 $0x1  }
0x3c: {  	_ =	sfence.sel $0xFFFF  }
0x3d: {  	[dreg:$0x0] =	wrdreg $0xFFFFFFFF;
	(pc) =	sbr.abs _section_cstart, $3  }
0x3e: {  	[dreg:$0x1] =	wrdreg $0xFFFFFFFF  }
0x3f: {  	_ =	task.clear_ibuf [dreg:s7], $0x2FFFF;
	_ =	strace $0x9FFFFFFF  }
0x40: {  	(tm) =	ssettm $0x7FFFFFFF  }
0x41: {  	_ =	shalt  }
tec
execute0_lowered:
.L_overlay_start_1:
0x0: {  	(tag) =	ssettag $0x1  }
0x1: {  	s1 =	rddreg [dreg:$0x0]  }
0x2: {  	s2 =	rddreg [dreg:$0x1]  }
0x3: {  	s0 =	rddreg [dreg:$0x2]  }
0x4: {  	_ =	strace $0x8000004A;
	s4 =	srdreg.scid;
	s6 =	simm.s32 $0x2  }
0x5: {  	s12 =	simm.s32 $0x0;
	p0 =	por $0x0, $0x0;
	s13 =	simm.s32 $0x0  }
0x6: {  	s15 =	simm.s32 $0x0;
	s14 =	simm.s32 $0x0;
	s8 =	simm.s32 $0x0  }
.Ltmp0:
0x7: {  	s9 =	simm.s32 $0x0;
	s10 =	simm.s32 $0x0;
	(pc) =	sbr.rel .LBB1_1-.Ltmp0, $4  }
0x8: {  	s7 =	simm.s32 $0x0;
	s3 =	sadd.s32 $0x401600, s1;
	s5 =	sshll.u32 s4, $0x4  }
0x9: {  	s1 =	stileid.u32;
	s4 =	simm.s32 $0x1;
	s5 =	sand.u32 $0x10, s5  }
0xa: {  	s21 =	simm.s32 $0x0;
	[sflag:s4] =	ssyncpa.u1 $0x0;
	s5 =	sor.u32 s1, s5  }
0xb: {  	[sflag:s6] =	ssyncpa.u1 $0x0;
	s6 =	simm.s32 $0x2000;
	s11 =	smov.u32 s5  }
.LBB1_7:
0xc: {  	s16 =	sadd.s32 $0x100, s8  }
0xd: {  	s12 =	sadd.s32 $0x8, s9;
	s17 =	smov.u32 s9;
	p2 =	sgt.s32 s16, $0x3FF  }
0xe: {  	s17 =	smov.u32 @p2 s12  }
0xf: {  	s18 =	smov.u32 s10;
	s12 =	sadd.s32 $0x8, s10;
	p3 =	sgt.s32 s17, $0x7  }
0x10: {  	s18 =	smov.u32 @p3 s12  }
0x11: {  	s19 =	smov.u32 s11;
	s12 =	sadd.s32 $0x20, s11;
	p4 =	sgt.s32 s18, $0x7  }
0x12: {  	p1 =	slt.u32 s7, $0x2;
	s19 =	smov.u32 @p4 s12  }
0x13: {  	s7 =	sadd.s32 $0x1, s7;
	s16 =	simm.s32 @p2 $0x0;
	p2 =	sgt.s32 s19, $0x7F  }
0x14: {  	s20 =	simm.s32 @!p1 $0x2;
	s19 =	smov.u32 @p2 s5;
	p2 =	sne.s32 s7, $0x12  }
.Ltmp1:
0x15: {  	s13 =	smov.u32 s9;
	_ =	swait.ge @!p1 [sflag:s20], $0x4000;
	(pc) =	sbr.rel @!p2 .LBB1_8-.Ltmp1, $4  }
0x16: {  	s15 =	smov.u32 s10;
	s14 =	smov.u32 s11;
	[sflag:s20] =	ssyncset.done @!p1 $0x0  }
0x17: {  	p0 =	por !p0, !p0;
	s17 =	simm.s32 @p3 $0x0;
	[sflag:s20] =	ssyncadd.s32 @!p1 $0xFFFFC000  }
0x18: {  	s9 =	smov.u32 s17;
	s18 =	simm.s32 @p4 $0x0;
	s12 =	smov.u32 s8  }
0x19: {  	s8 =	smov.u32 s16;
	s10 =	smov.u32 s18;
	s11 =	smov.u32 s19  }
.LBB1_1:
0x1a: {  	p1 =	sgt.u32 s7, $0xF  }
0x1b: {  	s16 =	sxor.u32 @!p1 $0xFFFFFFFF, s7  }
0x1c: {  	s17 =	sshll.u32 @!p1 s9, $0x7;
	s18 =	sand.u32 @!p1 $0x78, s8;
	s19 =	sshll.u32 @!p1 s11, $0xD  }
0x1d: {  	s20 =	sand.u32 @!p1 $0x380, s8;
	s16 =	sshll.u32 @!p1 s16, $0xE;
	s17 =	sand.u32 @!p1 $0x380, s17  }
0x1e: {  	s19 =	sadd.s32 @!p1 s3, s19;
	s17 =	sor.u32 @!p1 s18, s17;
	s18 =	sshll.u32 @!p1 s10, $0xA  }
0x1f: {  	s16 =	sand.u32 @!p1 $0x4000, s16;
	s18 =	sadd.s32 @!p1 s18, s19;
	s19 =	sand.u32 @!p1 $0x7, s8  }
0x20: {  	s17 =	sshrl.u32 @!p1 s17, $0x3;
	s18 =	sadd.s32 @!p1 s20, s18;
	s19 =	sshll.u32 @!p1 s19, $0x12  }
0x21: {  	s17 =	sadd.s32 @!p1 s17, s18;
	s18 =	sor.u32 @!p1 $0x800, s19;
	s19 =	simm.s32 @!p1 $0x2000  }
0x22: {  	[tilespmem:s16], [sflag:$0x1] =	stream.strided.gather @!p1 [hbm4b:s17+s18], $0x4000, s19, s18, $0x38;
	[tilespmem:$0x10000] =	vst v63  }
0x23: {  	p1 =	seq.s32 s7, $0x0  }
0x24: {  	p2 =	seq.s32 @!p1 s7, $0x11  }
0x25: {  	p1 =	por p1, p2  }
.Ltmp2:
0x26: {  	_ = 	snop;
	(pc) =	sbr.rel @p1 .LBB1_7-.Ltmp2, $1  }
0x27: {  	_ =	sdelay $0x3  }
0x28: {  	s16 =	simm.s32 $0x1  }
0x29: {  	_ =	swait.ge [sflag:s4], $0x4000;
	s31 =	sshll.u32 s7, $0xE;
	p1 =	por $0x0, $0x0  }
0x2a: {  	s22 =	simm.s32 $0x0;
	s23 =	simm.s32 $0x0;
	s16 =	simm.s32 @!p0 $0x0  }
0x2b: {  	[sflag:s4] =	ssyncset.done $0x0;
	s19 =	sand.u32 $0x4000, s31;
	s16 =	sshll.u32 s16, $0x10  }
0x2c: {  	[sflag:s4] =	ssyncadd.s32 $0xFFFFC000;
	s20 =	sshrl.u32 s16, $0x2;
	s16 =	sor.u32 $0x8000, s19  }
0x2d: {  	s17 =	sor.u32 $0x40, s20;
	s18 =	sor.u32 $0x8410, s20;
	s20 =	sadd.s32 $0x8400, s20  }
.LBB1_3:
0x2e: {  	v1 =	vld [tilespmem:s17+$0xFFFFFFD0]  }
0x2f: {  	v2 =	vld [tilespmem:s17+$0x430]  }
0x30: {  	s24 =	sshll.u32 s23, $0xB;
	v4 =	vld [tilespmem:s17+$0xFFFFFFE0]  }
0x31: {  	v7 =	vld [tilespmem:s17+$0xFFFFFFF0];
	v0 =	vmov s24  }
0x32: {  	v8 =	vld [tilespmem:s17+$0x0]  }
0x33: {  	s30 =	sand.u32 $0x300, s21;
	v9 =	vld [tilespmem:s17+$0x10]  }
0x34: {  	s25 =	sand.u32 $0x80, s21;
	v10 =	vld [tilespmem:s17+$0x20];
	s24 =	sadd.s32 s30, s19  }
0x35: {  	v11 =	vld [tilespmem:s17+$0x30];
	s24 =	sadd.s32 s25, s24;
	s25 =	simm.s32 $0x1;
	[tilespmem:s18+$0x60] =	vst v2  }
0x36: {  	s31 =	sshll.u32 s22, $0x2;
	s25 =	simm.s32 @!p1 $0x0;
	[tilespmem:s18+$0xFFFFFC00] =	vst v1;
	v3 =	vld.idx.msk [tilespmem:v0+s24+$0x400 ss:$0x1], $0xffff  }
0x37: {  	v6 =	vld [tilespmem:s17+$0x3D0];
	s25 =	sshll.u32 s25, $0x9;
	[tilespmem:s18+$0xFFFFFC10] =	vst v4;
	s24 =	sand.u32 $0xFFFFFC00, s31  }
0x38: {  	v5 =	vld [tilespmem:s17+$0x3E0];
	[tilespmem:s18+$0xFFFFFC20] =	vst v7;
	s24 =	sor.u32 s25, s24  }
0x39: {  	[tilespmem:s18+$0xFFFFFC30] =	vst v8;
	v4 =	vld [tilespmem:s17+$0x400];
	s24 =	sshrl.u32 s24, $0x2  }
0x3a: {  	[tilespmem:s18+$0xFFFFFC40] =	vst v9;
	v1 =	vld [tilespmem:s17+$0x410];
	s24 =	sadd.s32 s24, s20  }
0x3b: {  	[tilespmem:s24+$0x0] =	vst v3;
	v3 =	vld [tilespmem:s17+$0x3F0]  }
0x3c: {  	s28 =	simm.s32 $0x80;
	s27 =	simm.s32 $0x100;
	[tilespmem:s18+$0xFFFFFC50] =	vst v10;
	v2 =	vld [tilespmem:s17+$0x420]  }
0x3d: {  	s26 =	smov.u32 s18;
	s29 =	sand.u32 $0x300, s28;
	v7 =	vld [tilespmem:s17+$0xFFFFFFC0];
	[tilespmem:s18+$0xFFFFFC60] =	vst v11;
	s25 =	sadd.s32 $0x80, s17  }
.LBB1_4:
0x3e: {  	p2 =	sne.s32 s27, $0x380;
	v8 =	vld [tilespmem:s25+$0xFFFFFFD0];
	s28 =	sand.u32 $0x80, s28;
	s29 =	sadd.s32 s29, s19;
	[tilespmem:s26+$0x0] =	vst v6  }
0x3f: {  	s29 =	sadd.s32 s28, s29;
	v6 =	vld [tilespmem:s25+$0x430];
	[tilespmem:s26+$0x10] =	vst v5;
	s28 =	smov.u32 s27  }
0x40: {  	v5 =	vld.idx.msk [tilespmem:v0+s29+$0x400 ss:$0x1], $0xffff;
	[tilespmem:s26+$0x20] =	vst v3  }
0x41: {  	v3 =	vld [tilespmem:s25+$0xFFFFFFE0];
	[tilespmem:s26+$0x30] =	vst v4  }
0x42: {  	v4 =	vld [tilespmem:s25+$0xFFFFFFF0];
	[tilespmem:s26+$0xFFFFFBF0] =	vst v7  }
0x43: {  	v7 =	vld [tilespmem:s25+$0x0];
	[tilespmem:s26+$0x40] =	vst v1  }
0x44: {  	v1 =	vld [tilespmem:s25+$0x10];
	[tilespmem:s26+$0x50] =	vst v2;
	s26 =	sadd.s32 $0x800, s26  }
0x45: {  	s24 =	sadd.s32 $0x800, s24;
	v2 =	vld [tilespmem:s25+$0x20];
	[tilespmem:s26+$0x60] =	vst v6  }
0x46: {  	v9 =	vld [tilespmem:s25+$0x30];
	[tilespmem:s24+$0x0] =	vst v5  }
0x47: {  	[tilespmem:s26+$0xFFFFFC00] =	vst v8;
	v6 =	vld [tilespmem:s25+$0x3D0]  }
0x48: {  	[tilespmem:s26+$0xFFFFFC10] =	vst v3;
	v5 =	vld [tilespmem:s25+$0x3E0]  }
.Ltmp3:
0x49: {  	[tilespmem:s26+$0xFFFFFC20] =	vst v4;
	v3 =	vld [tilespmem:s25+$0x3F0];
	(pc) =	sbr.rel @p2 .LBB1_4-.Ltmp3, $4  }
0x4a: {  	[tilespmem:s26+$0xFFFFFC30] =	vst v7;
	v4 =	vld [tilespmem:s25+$0x400]  }
0x4b: {  	[tilespmem:s26+$0xFFFFFC40] =	vst v1;
	v1 =	vld [tilespmem:s25+$0x410]  }
0x4c: {  	[tilespmem:s26+$0xFFFFFC50] =	vst v2;
	v2 =	vld [tilespmem:s25+$0x420]  }
0x4d: {  	s27 =	sadd.s32 $0x80, s27;
	s29 =	sand.u32 $0x300, s28;
	v7 =	vld [tilespmem:s25+$0xFFFFFFC0];
	[tilespmem:s26+$0xFFFFFC60] =	vst v9;
	s25 =	sadd.s32 $0x80, s25  }
0x4e: {  	[tilespmem:s26+$0x0] =	vst v6  }
0x4f: {  	[tilespmem:s26+$0x10] =	vst v5  }
0x50: {  	v49 =	vld [tilespmem:s25+$0x430];
	[tilespmem:s26+$0x20] =	vst v3  }
0x51: {  	v50 =	vld [tilespmem:s25+$0xFFFFFFD0];
	[tilespmem:s26+$0x30] =	vst v4  }
0x52: {  	v51 =	vld [tilespmem:s25+$0xFFFFFFE0];
	[tilespmem:s26+$0x40] =	vst v1  }
0x53: {  	v52 =	vld [tilespmem:s25+$0xFFFFFFF0];
	[tilespmem:s26+$0x50] =	vst v2  }
0x54: {  	s31 =	sadd.s32 $0x800, s26;
	v53 =	vld [tilespmem:s25+$0x0];
	[tilespmem:s26+$0xFFFFFBF0] =	vst v7  }
0x55: {  	v54 =	vld [tilespmem:s25+$0x10];
	[tilespmem:s31+$0x60] =	vst v49  }
0x56: {  	v55 =	vld [tilespmem:s25+$0x20];
	[tilespmem:s31+$0xFFFFFC00] =	vst v50  }
0x57: {  	v56 =	vld [tilespmem:s25+$0x30];
	[tilespmem:s31+$0xFFFFFC10] =	vst v51  }
0x58: {  	v57 =	vld [tilespmem:s25+$0x3D0];
	[tilespmem:s31+$0xFFFFFC20] =	vst v52  }
0x59: {  	v58 =	vld [tilespmem:s25+$0x3E0];
	[tilespmem:s31+$0xFFFFFC30] =	vst v53  }
0x5a: {  	v59 =	vld [tilespmem:s25+$0x3F0];
	[tilespmem:s31+$0xFFFFFC40] =	vst v54  }
0x5b: {  	v60 =	vld [tilespmem:s25+$0x400];
	[tilespmem:s31+$0xFFFFFC50] =	vst v55  }
0x5c: {  	v61 =	vld [tilespmem:s25+$0xFFFFFFC0];
	[tilespmem:s31+$0xFFFFFC60] =	vst v56  }
0x5d: {  	s27 =	sand.u32 $0x80, s28;
	s30 =	sadd.s32 s29, s19;
	v62 =	vld [tilespmem:s25+$0x410];
	[tilespmem:s31+$0x0] =	vst v57  }
0x5e: {  	v63 =	vld [tilespmem:s25+$0x420];
	s23 =	sadd.s32 $0x1, s23;
	s27 =	sadd.s32 s27, s30;
	[tilespmem:s31+$0x10] =	vst v58  }
0x5f: {  	p2 =	sne.s32 s23, $0x8;
	v0 =	vld.idx.msk [tilespmem:v0+s27+$0x400 ss:$0x1], $0xffff;
	[tilespmem:s31+$0x20] =	vst v59  }
.Ltmp4:
0x60: {  	[tilespmem:s31+$0x30] =	vst v60;
	(pc) =	sbr.rel @p2 .LBB1_3-.Ltmp4, $4  }
0x61: {  	[tilespmem:s31+$0xFFFFFBF0] =	vst v61  }
0x62: {  	[tilespmem:s31+$0x40] =	vst v62  }
0x63: {  	s24 =	sadd.s32 $0x800, s24;
	s17 =	sadd.s32 $0x800, s17;
	[tilespmem:s31+$0x50] =	vst v63  }
0x64: {  	s22 =	sadd.s32 $0x80, s22;
	p1 =	por !p1, !p1;
	s18 =	sadd.s32 $0x80, s18;
	[tilespmem:s24+$0x0] =	vst v0  }
0x65: {  	s15 =	sshll.u32 s15, $0x7;
	s17 =	sand.u32 $0x78, s12  }
0x66: {  	s14 =	sshll.u32 s14, $0xD;
	s13 =	sshll.u32 s13, $0xA;
	s29 =	sand.u32 $0x380, s12  }
.Ltmp5:
0x67: {  	s15 =	sand.u32 $0x380, s15;
	s14 =	sadd.s32 s2, s14;
	(pc) =	sbr.rel .LBB1_7-.Ltmp5, $4  }
0x68: {  	s30 =	sand.u32 $0x7, s12;
	s15 =	sor.u32 s15, s17;
	s13 =	sadd.s32 s13, s14  }
0x69: {  	s12 =	sshll.u32 s30, $0x12;
	s31 =	sshrl.u32 s15, $0x3;
	s13 =	sadd.s32 s29, s13  }
0x6a: {  	s12 =	sor.u32 $0x800, s12;
	s13 =	sadd.s32 s31, s13  }
0x6b: {  	[hbm4b:s13+s12] =	stream.strided.scatter [tilespmem:s16], [sflag:$0x2], $0x4000, s6, s12, $0x38;
	[tilespmem:$0x10000] =	vst v63  }
.LBB1_8:
0x6c: {  	_ =	sfence.sel $0x180000  }
0x6d: {  	s2 =	simm.s32 $0x1;
	[bflag:$0x0] =	sbarrier.arrive $0xFFFF  }
0x6e: {  	s31 =	simm.s32 $0x2;
	[sflag:s2] =	ssyncpa.u1 $0x1  }
0x6f: {  	[sflag:s31] =	ssyncpa.u1 $0x1  }
0x70: {  	p0 =	sne.s32 s1, $0x0;
	_ =	strace $0x9000004A  }
0x71: {  	s0 =	sadd.s32 @!p0 $0x100000, s0;
	[bflag:$0x2] =	sbarrier.arrive $0xFFFF  }
0x72: {  	[sflag:s0] =	ssyncadd.tile.s32 @!p0 $0x1;
	_ =	shalt  }
.Lfunc_end1:
_tile_overlayer_lowered:
.L_overlay_start_2:
0x73: {  	(tag) =	ssettag $0x2  }
0x74: {  	s0 =	rddreg [dreg:$0x0];
	s2 =	stileid.u32  }
0x75: {  	s1 =	rddreg [dreg:$0x1];
	p0 =	sne.s32 s2, $0x0  }
0x76: {  	s3 =	rddreg [dreg:$0x2];
	[bflag:$0x3] =	sbarrier.arrive $0xFFFF;
	s2 =	simm.s32 @!p0 $0x1C01  }
0x77: {  	[timem:s3], [sflag:s2] =	dma.local @!p0 [hbm:s0], s1  }
0x78: {  	s0 =	simm.s32 @!p0 $0x1  }
0x79: {  	_ =	swait.ge @!p0 [sflag:s0], s1  }
0x7a: {  	s1 =	ssub.s32 @!p0 $0x0, s1;
	[sflag:s0] =	ssyncset.done @!p0 $0x0  }
0x7b: {  	[sflag:s0] =	ssyncadd.s32 @!p0 s1  }
0x7c: {  	[bflag:$0x3] =	sbarrier.arrive $0xFFFF  }
0x7d: {  	_ =	shalt  }

// kernel: sparse-core-data-format-call.2.cloned.1.call-start
scs
called_computation.2_lowered:
.L_overlay_start_0:
0x0: {  	s2 =	sld [smem:$0x3FD9]  }
0x1: {  	s3 =	sld [smem:$0x3FFE];
	_ =	sdelay $0x1  }
0x2: {  	s1 =	srdreg.scid  }
0x3: {  	s0 =	sand.u32 $0x1, s1  }
0x4: {  	s16 =	sshll.u32 s0, $0xA;
	s2 =	sadd.s32 s3, s2  }
0x5: {  	s2 =	sadd.s32 s2, s16  }
0x6: {  	[smem:$0x3FC3] =	sst s2  }
0x7: {  	_ = 	snop  }
0x8: {  	s2 =	sld [smem:$0x3FD0];
	_ =	sdelay $0x2  }
0x9: {  	s4 =	simm.s32 $0xB;
	s5 =	simm.s32 $0x10;
	s17 =	sld [smem:$0x3FC9]  }
0xa: {  	[smem:s5], [sflag:s4] =	dma.local [hbm:s2], $0x1  }
0xb: {  	_ =	swait.eq [sflag:s4], $0x1  }
0xc: {  	[sflag:s4] =	ssyncset.done $0x0  }
0xd: {  	[sflag:s4] =	ssyncadd.s32 $0xFFFFFFFF  }
0xe: {  	s18 =	sld [smem:$0x11];
	(tm) =	ssettm $0x1  }
0xf: {  	s19 =	sld [smem:$0x3FFB];
	_ =	sdelay $0x3  }
0x10: {  	_ =	strace s19  }
0x11: {  	s4 =	sld [smem:$0x3FFC];
	_ =	sdelay $0x3  }
0x12: {  	_ =	strace s4  }
0x13: {  	s4 =	sld [smem:$0x3FFD];
	_ =	sdelay $0x3  }
0x14: {  	_ =	strace s4  }
0x15: {  	_ =	strace $0x8FFFFFFF  }
0x16: {  	s20 =	sld [smem:$0x3FDB];
	_ =	sdelay $0x1  }
0x17: {  	s21 =	simm.s32 $_scs_section_size  }
0x18: {  	s6 =	simm.s32 $_size__tile_overlayer_lowered;
	s7 =	simm.s32 $_tile_overlayer_lowered  }
0x19: {  	s24 =	simm.s32 $0x1BFF;
	s23 =	sshll.u32 s7, $0x1;
	s4 =	sadd.s32 s21, s20  }
0x1a: {  	s8 =	simm.s32 $0x0;
	s22 =	sshll.u32 s6, $0x1;
	s6 =	sadd.s32 s23, s4  }
0x1b: {  	[timem:s8], [sflag:s24] =	dma.local [hbm:s6], s22  }
0x1c: {  	_ =	swait.ge [sflag:s24], s22  }
0x1d: {  	s5 =	ssub.s32 $0x0, s22;
	[sflag:s24] =	ssyncset.done $0x0  }
0x1e: {  	[sflag:s24] =	ssyncadd.s32 s5;
	_ =	sdelay $0x1  }
0x1f: {  	s25 =	simm.s32 $0x1B8B  }
0x20: {  	_ =	swait.ge [sflag:s25], $0x1  }
0x21: {  	[sflag:s25] =	ssyncset.done $0x0  }
0x22: {  	s26 =	simm.s32 $0x1B8E;
	[sflag:s25] =	ssyncadd.s32 $0xFFFFFFFF  }
0x23: {  	s27 =	simm.s32 $execute0_lowered;
	[smem:$0x3FD2] =	sst s26  }
0x24: {  	s5 =	sshll.u32 s27, $0x1;
	_ =	strace $0x80000046;
	[dreg:$0x1] =	wrdreg $0xFFFFFFFF  }
0x25: {  	s28 =	simm.s32 $_size_execute0_lowered;
	s4 =	sadd.s32 s4, s5;
	[dreg:$0x0] =	wrdreg $0x0  }
0x26: {  	s5 =	sshll.u32 s28, $0x1;
	[dreg:$0x2] =	wrdreg s4  }
0x27: {  	[dreg:$0x3] =	wrdreg s5  }
0x28: {  	[dreg:$0x4] =	wrdreg $0xC0  }
0x29: {  	_ =	task [dreg:s8], $0x5FFFF  }
0x2a: {  	[dreg:$0x1] =	wrdreg $0xFFFFFFFF  }
0x2b: {  	[dreg:$0x0] =	wrdreg $0x60  }
0x2c: {  	[dreg:$0x2] =	wrdreg s17  }
0x2d: {  	[dreg:$0x3] =	wrdreg s18  }
0x2e: {  	[dreg:$0x4] =	wrdreg $0x9  }
0x2f: {  	_ =	task.clear_ibuf [dreg:s8], $0x5FFFF;
	_ =	strace $0x90000046  }
0x30: {  	s29 =	simm.s32 $0x9;
	_ =	strace $0x80000048  }
0x31: {  	_ =	swait.ge [sflag:s29], $0x1  }
0x32: {  	[sflag:s29] =	ssyncadd.s32 $0xFFFFFFFF  }
0x33: {  	_ =	strace $0x90000048  }
0x34: {  	_ =	sfence  }
0x35: {  	s30 =	sld [smem:$0x0];
	_ =	sdelay $0x2  }
0x36: {  	s31 =	sshll.u32 s1, $0xD;
	s1 =	sshrl.u32 s1, $0x2  }
0x37: {  	s3 =	sand.u32 $0x4000, s31;
	s1 =	sadd.s32 s1, s30  }
0x38: {  	s0 =	sor.u32 s3, s0;
	s1 =	sshll.u32 s1, $0x11  }
0x39: {  	s0 =	sor.u32 s1, s0  }
0x3a: {  	s0 =	sadd.s32 $0x8F2B, s0  }
0x3b: {  	[sflag:s0] =	ssyncadd.remote.s32 $0x1  }
0x3c: {  	_ =	sfence.sel $0xFFFF  }
0x3d: {  	[dreg:$0x0] =	wrdreg $0xFFFFFFFF;
	(pc) =	sbr.abs _section_cstart, $3  }
0x3e: {  	[dreg:$0x1] =	wrdreg $0xFFFFFFFF  }
0x3f: {  	_ =	task.clear_ibuf [dreg:s8], $0x2FFFF;
	_ =	strace $0x9FFFFFFF  }
0x40: {  	(tm) =	ssettm $0x7FFFFFFF  }
0x41: {  	_ =	shalt  }
tec
execute0_lowered:
.L_overlay_start_1:
0x0: {  	(tag) =	ssettag $0x1  }
0x1: {  	s2 =	rddreg [dreg:$0x0]  }
0x2: {  	s3 =	rddreg [dreg:$0x1]  }
0x3: {  	s0 =	rddreg [dreg:$0x2];
	_ =	strace $0x80000047;
	s4 =	srdreg.scid  }
0x4: {  	s1 =	stileid.u32;
	s6 =	simm.s32 $0x2;
	s12 =	simm.s32 $0x0  }
0x5: {  	p0 =	por $0x0, $0x0;
	s13 =	simm.s32 $0x0;
	s15 =	simm.s32 $0x0  }
.Ltmp0:
0x6: {  	s14 =	simm.s32 $0x0;
	s8 =	simm.s32 $0x0;
	(pc) =	sbr.rel .LBB1_1-.Ltmp0, $4  }
0x7: {  	s9 =	simm.s32 $0x0;
	s10 =	simm.s32 $0x0;
	s5 =	sshll.u32 s4, $0x4  }
0x8: {  	s7 =	simm.s32 $0x0;
	s4 =	simm.s32 $0x1;
	s5 =	sand.u32 $0x10, s5  }
0x9: {  	s21 =	simm.s32 $0x0;
	[sflag:s4] =	ssyncpa.u1 $0x0;
	s5 =	sor.u32 s1, s5  }
0xa: {  	[sflag:s6] =	ssyncpa.u1 $0x0;
	s6 =	simm.s32 $0x2000;
	s11 =	smov.u32 s5  }
.LBB1_7:
0xb: {  	s16 =	sadd.s32 $0x100, s8  }
0xc: {  	s12 =	sadd.s32 $0x8, s9;
	s17 =	smov.u32 s9;
	p2 =	sgt.s32 s16, $0x3FF  }
0xd: {  	s17 =	smov.u32 @p2 s12  }
0xe: {  	s18 =	smov.u32 s10;
	s12 =	sadd.s32 $0x8, s10;
	p3 =	sgt.s32 s17, $0x7  }
0xf: {  	s18 =	smov.u32 @p3 s12  }
0x10: {  	s19 =	smov.u32 s11;
	s12 =	sadd.s32 $0x20, s11;
	p4 =	sgt.s32 s18, $0x7  }
0x11: {  	p1 =	slt.u32 s7, $0x2;
	s19 =	smov.u32 @p4 s12  }
0x12: {  	s7 =	sadd.s32 $0x1, s7;
	s16 =	simm.s32 @p2 $0x0;
	p2 =	sgt.s32 s19, $0x7F  }
0x13: {  	s20 =	simm.s32 @!p1 $0x2;
	s19 =	smov.u32 @p2 s5;
	p2 =	sne.s32 s7, $0x12  }
.Ltmp1:
0x14: {  	s13 =	smov.u32 s9;
	_ =	swait.ge @!p1 [sflag:s20], $0x4000;
	(pc) =	sbr.rel @!p2 .LBB1_8-.Ltmp1, $4  }
0x15: {  	s15 =	smov.u32 s10;
	s14 =	smov.u32 s11;
	[sflag:s20] =	ssyncset.done @!p1 $0x0  }
0x16: {  	p0 =	por !p0, !p0;
	s17 =	simm.s32 @p3 $0x0;
	[sflag:s20] =	ssyncadd.s32 @!p1 $0xFFFFC000  }
0x17: {  	s9 =	smov.u32 s17;
	s18 =	simm.s32 @p4 $0x0;
	s12 =	smov.u32 s8  }
0x18: {  	s8 =	smov.u32 s16;
	s10 =	smov.u32 s18;
	s11 =	smov.u32 s19  }
.LBB1_1:
0x19: {  	p1 =	sgt.u32 s7, $0xF  }
0x1a: {  	s16 =	sxor.u32 @!p1 $0xFFFFFFFF, s7  }
0x1b: {  	s17 =	sshll.u32 @!p1 s9, $0x7;
	s18 =	sand.u32 @!p1 $0x78, s8;
	s19 =	sshll.u32 @!p1 s11, $0xD  }
0x1c: {  	s20 =	sand.u32 @!p1 $0x380, s8;
	s16 =	sshll.u32 @!p1 s16, $0xE;
	s17 =	sand.u32 @!p1 $0x380, s17  }
0x1d: {  	s19 =	sadd.s32 @!p1 s2, s19;
	s17 =	sor.u32 @!p1 s18, s17;
	s18 =	sshll.u32 @!p1 s10, $0xA  }
0x1e: {  	s16 =	sand.u32 @!p1 $0x4000, s16;
	s18 =	sadd.s32 @!p1 s18, s19;
	s19 =	sand.u32 @!p1 $0x7, s8  }
0x1f: {  	s17 =	sshrl.u32 @!p1 s17, $0x3;
	s18 =	sadd.s32 @!p1 s20, s18;
	s19 =	sshll.u32 @!p1 s19, $0x12  }
0x20: {  	s17 =	sadd.s32 @!p1 s17, s18;
	s18 =	sor.u32 @!p1 $0x800, s19;
	s19 =	simm.s32 @!p1 $0x2000  }
0x21: {  	[tilespmem:s16], [sflag:$0x1] =	stream.strided.gather @!p1 [hbm4b:s17+s18], $0x4000, s19, s18, $0x38;
	[tilespmem:$0x10000] =	vst v63  }
0x22: {  	p1 =	seq.s32 s7, $0x0  }
0x23: {  	p2 =	seq.s32 @!p1 s7, $0x11  }
0x24: {  	p1 =	por p1, p2  }
.Ltmp2:
0x25: {  	_ = 	snop;
	(pc) =	sbr.rel @p1 .LBB1_7-.Ltmp2, $1  }
0x26: {  	_ =	sdelay $0x3  }
0x27: {  	s16 =	simm.s32 $0x1  }
0x28: {  	_ =	swait.ge [sflag:s4], $0x4000;
	s31 =	sshll.u32 s7, $0xE;
	p1 =	por $0x0, $0x0  }
0x29: {  	s22 =	simm.s32 $0x0;
	s23 =	simm.s32 $0x0;
	s16 =	simm.s32 @!p0 $0x0  }
0x2a: {  	[sflag:s4] =	ssyncset.done $0x0;
	s19 =	sand.u32 $0x4000, s31;
	s16 =	sshll.u32 s16, $0x10  }
0x2b: {  	[sflag:s4] =	ssyncadd.s32 $0xFFFFC000;
	s20 =	sshrl.u32 s16, $0x2;
	s16 =	sor.u32 $0x8000, s19  }
0x2c: {  	s17 =	sor.u32 $0x40, s20;
	s18 =	sor.u32 $0x8410, s20;
	s20 =	sadd.s32 $0x8400, s20  }
.LBB1_3:
0x2d: {  	v1 =	vld [tilespmem:s17+$0xFFFFFFD0]  }
0x2e: {  	v2 =	vld [tilespmem:s17+$0x430]  }
0x2f: {  	s24 =	sshll.u32 s23, $0xB;
	v4 =	vld [tilespmem:s17+$0xFFFFFFE0]  }
0x30: {  	v7 =	vld [tilespmem:s17+$0xFFFFFFF0];
	v0 =	vmov s24  }
0x31: {  	v8 =	vld [tilespmem:s17+$0x0]  }
0x32: {  	s30 =	sand.u32 $0x300, s21;
	v9 =	vld [tilespmem:s17+$0x10]  }
0x33: {  	s25 =	sand.u32 $0x80, s21;
	v10 =	vld [tilespmem:s17+$0x20];
	s24 =	sadd.s32 s30, s19  }
0x34: {  	v11 =	vld [tilespmem:s17+$0x30];
	s24 =	sadd.s32 s25, s24;
	s25 =	simm.s32 $0x1;
	[tilespmem:s18+$0x60] =	vst v2  }
0x35: {  	s31 =	sshll.u32 s22, $0x2;
	s25 =	simm.s32 @!p1 $0x0;
	[tilespmem:s18+$0xFFFFFC00] =	vst v1;
	v3 =	vld.idx.msk [tilespmem:v0+s24+$0x400 ss:$0x1], $0xffff  }
0x36: {  	v6 =	vld [tilespmem:s17+$0x3D0];
	s25 =	sshll.u32 s25, $0x9;
	[tilespmem:s18+$0xFFFFFC10] =	vst v4;
	s24 =	sand.u32 $0xFFFFFC00, s31  }
0x37: {  	v5 =	vld [tilespmem:s17+$0x3E0];
	[tilespmem:s18+$0xFFFFFC20] =	vst v7;
	s24 =	sor.u32 s25, s24  }
0x38: {  	[tilespmem:s18+$0xFFFFFC30] =	vst v8;
	v4 =	vld [tilespmem:s17+$0x400];
	s24 =	sshrl.u32 s24, $0x2  }
0x39: {  	[tilespmem:s18+$0xFFFFFC40] =	vst v9;
	v1 =	vld [tilespmem:s17+$0x410];
	s24 =	sadd.s32 s24, s20  }
0x3a: {  	[tilespmem:s24+$0x0] =	vst v3;
	v3 =	vld [tilespmem:s17+$0x3F0]  }
0x3b: {  	s28 =	simm.s32 $0x80;
	s27 =	simm.s32 $0x100;
	[tilespmem:s18+$0xFFFFFC50] =	vst v10;
	v2 =	vld [tilespmem:s17+$0x420]  }
0x3c: {  	s26 =	smov.u32 s18;
	s29 =	sand.u32 $0x300, s28;
	v7 =	vld [tilespmem:s17+$0xFFFFFFC0];
	[tilespmem:s18+$0xFFFFFC60] =	vst v11;
	s25 =	sadd.s32 $0x80, s17  }
.LBB1_4:
0x3d: {  	p2 =	sne.s32 s27, $0x380;
	v8 =	vld [tilespmem:s25+$0xFFFFFFD0];
	s28 =	sand.u32 $0x80, s28;
	s29 =	sadd.s32 s29, s19;
	[tilespmem:s26+$0x0] =	vst v6  }
0x3e: {  	s29 =	sadd.s32 s28, s29;
	v6 =	vld [tilespmem:s25+$0x430];
	[tilespmem:s26+$0x10] =	vst v5;
	s28 =	smov.u32 s27  }
0x3f: {  	v5 =	vld.idx.msk [tilespmem:v0+s29+$0x400 ss:$0x1], $0xffff;
	[tilespmem:s26+$0x20] =	vst v3  }
0x40: {  	v3 =	vld [tilespmem:s25+$0xFFFFFFE0];
	[tilespmem:s26+$0x30] =	vst v4  }
0x41: {  	v4 =	vld [tilespmem:s25+$0xFFFFFFF0];
	[tilespmem:s26+$0xFFFFFBF0] =	vst v7  }
0x42: {  	v7 =	vld [tilespmem:s25+$0x0];
	[tilespmem:s26+$0x40] =	vst v1  }
0x43: {  	v1 =	vld [tilespmem:s25+$0x10];
	[tilespmem:s26+$0x50] =	vst v2;
	s26 =	sadd.s32 $0x800, s26  }
0x44: {  	s24 =	sadd.s32 $0x800, s24;
	v2 =	vld [tilespmem:s25+$0x20];
	[tilespmem:s26+$0x60] =	vst v6  }
0x45: {  	v9 =	vld [tilespmem:s25+$0x30];
	[tilespmem:s24+$0x0] =	vst v5  }
0x46: {  	[tilespmem:s26+$0xFFFFFC00] =	vst v8;
	v6 =	vld [tilespmem:s25+$0x3D0]  }
0x47: {  	[tilespmem:s26+$0xFFFFFC10] =	vst v3;
	v5 =	vld [tilespmem:s25+$0x3E0]  }
.Ltmp3:
0x48: {  	[tilespmem:s26+$0xFFFFFC20] =	vst v4;
	v3 =	vld [tilespmem:s25+$0x3F0];
	(pc) =	sbr.rel @p2 .LBB1_4-.Ltmp3, $4  }
0x49: {  	[tilespmem:s26+$0xFFFFFC30] =	vst v7;
	v4 =	vld [tilespmem:s25+$0x400]  }
0x4a: {  	[tilespmem:s26+$0xFFFFFC40] =	vst v1;
	v1 =	vld [tilespmem:s25+$0x410]  }
0x4b: {  	[tilespmem:s26+$0xFFFFFC50] =	vst v2;
	v2 =	vld [tilespmem:s25+$0x420]  }
0x4c: {  	s27 =	sadd.s32 $0x80, s27;
	s29 =	sand.u32 $0x300, s28;
	v7 =	vld [tilespmem:s25+$0xFFFFFFC0];
	[tilespmem:s26+$0xFFFFFC60] =	vst v9;
	s25 =	sadd.s32 $0x80, s25  }
0x4d: {  	[tilespmem:s26+$0x0] =	vst v6  }
0x4e: {  	[tilespmem:s26+$0x10] =	vst v5  }
0x4f: {  	v49 =	vld [tilespmem:s25+$0x430];
	[tilespmem:s26+$0x20] =	vst v3  }
0x50: {  	v50 =	vld [tilespmem:s25+$0xFFFFFFD0];
	[tilespmem:s26+$0x30] =	vst v4  }
0x51: {  	v51 =	vld [tilespmem:s25+$0xFFFFFFE0];
	[tilespmem:s26+$0x40] =	vst v1  }
0x52: {  	v52 =	vld [tilespmem:s25+$0xFFFFFFF0];
	[tilespmem:s26+$0x50] =	vst v2  }
0x53: {  	s31 =	sadd.s32 $0x800, s26;
	v53 =	vld [tilespmem:s25+$0x0];
	[tilespmem:s26+$0xFFFFFBF0] =	vst v7  }
0x54: {  	v54 =	vld [tilespmem:s25+$0x10];
	[tilespmem:s31+$0x60] =	vst v49  }
0x55: {  	v55 =	vld [tilespmem:s25+$0x20];
	[tilespmem:s31+$0xFFFFFC00] =	vst v50  }
0x56: {  	v56 =	vld [tilespmem:s25+$0x30];
	[tilespmem:s31+$0xFFFFFC10] =	vst v51  }
0x57: {  	v57 =	vld [tilespmem:s25+$0x3D0];
	[tilespmem:s31+$0xFFFFFC20] =	vst v52  }
0x58: {  	v58 =	vld [tilespmem:s25+$0x3E0];
	[tilespmem:s31+$0xFFFFFC30] =	vst v53  }
0x59: {  	v59 =	vld [tilespmem:s25+$0x3F0];
	[tilespmem:s31+$0xFFFFFC40] =	vst v54  }
0x5a: {  	v60 =	vld [tilespmem:s25+$0x400];
	[tilespmem:s31+$0xFFFFFC50] =	vst v55  }
0x5b: {  	v61 =	vld [tilespmem:s25+$0xFFFFFFC0];
	[tilespmem:s31+$0xFFFFFC60] =	vst v56  }
0x5c: {  	s27 =	sand.u32 $0x80, s28;
	s30 =	sadd.s32 s29, s19;
	v62 =	vld [tilespmem:s25+$0x410];
	[tilespmem:s31+$0x0] =	vst v57  }
0x5d: {  	v63 =	vld [tilespmem:s25+$0x420];
	s23 =	sadd.s32 $0x1, s23;
	s27 =	sadd.s32 s27, s30;
	[tilespmem:s31+$0x10] =	vst v58  }
0x5e: {  	p2 =	sne.s32 s23, $0x8;
	v0 =	vld.idx.msk [tilespmem:v0+s27+$0x400 ss:$0x1], $0xffff;
	[tilespmem:s31+$0x20] =	vst v59  }
.Ltmp4:
0x5f: {  	[tilespmem:s31+$0x30] =	vst v60;
	(pc) =	sbr.rel @p2 .LBB1_3-.Ltmp4, $4  }
0x60: {  	[tilespmem:s31+$0xFFFFFBF0] =	vst v61  }
0x61: {  	[tilespmem:s31+$0x40] =	vst v62  }
0x62: {  	s24 =	sadd.s32 $0x800, s24;
	s17 =	sadd.s32 $0x800, s17;
	[tilespmem:s31+$0x50] =	vst v63  }
0x63: {  	s22 =	sadd.s32 $0x80, s22;
	p1 =	por !p1, !p1;
	s18 =	sadd.s32 $0x80, s18;
	[tilespmem:s24+$0x0] =	vst v0  }
0x64: {  	s15 =	sshll.u32 s15, $0x7;
	s17 =	sand.u32 $0x78, s12  }
0x65: {  	s14 =	sshll.u32 s14, $0xD;
	s13 =	sshll.u32 s13, $0xA;
	s29 =	sand.u32 $0x380, s12  }
.Ltmp5:
0x66: {  	s15 =	sand.u32 $0x380, s15;
	s14 =	sadd.s32 s3, s14;
	(pc) =	sbr.rel .LBB1_7-.Ltmp5, $4  }
0x67: {  	s30 =	sand.u32 $0x7, s12;
	s15 =	sor.u32 s15, s17;
	s13 =	sadd.s32 s13, s14  }
0x68: {  	s12 =	sshll.u32 s30, $0x12;
	s31 =	sshrl.u32 s15, $0x3;
	s13 =	sadd.s32 s29, s13  }
0x69: {  	s12 =	sor.u32 $0x800, s12;
	s13 =	sadd.s32 s31, s13  }
0x6a: {  	[hbm4b:s13+s12] =	stream.strided.scatter [tilespmem:s16], [sflag:$0x2], $0x4000, s6, s12, $0x38;
	[tilespmem:$0x10000] =	vst v63  }
.LBB1_8:
0x6b: {  	_ =	sfence.sel $0x180000  }
0x6c: {  	s2 =	simm.s32 $0x1;
	[bflag:$0x0] =	sbarrier.arrive $0xFFFF  }
0x6d: {  	s31 =	simm.s32 $0x2;
	[sflag:s2] =	ssyncpa.u1 $0x1  }
0x6e: {  	[sflag:s31] =	ssyncpa.u1 $0x1  }
0x6f: {  	p0 =	sne.s32 s1, $0x0;
	_ =	strace $0x90000047  }
0x70: {  	s0 =	sadd.s32 @!p0 $0x100000, s0;
	[bflag:$0x2] =	sbarrier.arrive $0xFFFF  }
0x71: {  	[sflag:s0] =	ssyncadd.tile.s32 @!p0 $0x1;
	_ =	shalt  }
.Lfunc_end1:
_tile_overlayer_lowered:
.L_overlay_start_2:
0x72: {  	(tag) =	ssettag $0x2  }
0x73: {  	s0 =	rddreg [dreg:$0x0];
	s2 =	stileid.u32  }
0x74: {  	s1 =	rddreg [dreg:$0x1];
	p0 =	sne.s32 s2, $0x0  }
0x75: {  	s3 =	rddreg [dreg:$0x2];
	[bflag:$0x3] =	sbarrier.arrive $0xFFFF;
	s2 =	simm.s32 @!p0 $0x1C01  }
0x76: {  	[timem:s3], [sflag:s2] =	dma.local @!p0 [hbm:s0], s1  }
0x77: {  	s0 =	simm.s32 @!p0 $0x1  }
0x78: {  	_ =	swait.ge @!p0 [sflag:s0], s1  }
0x79: {  	s1 =	ssub.s32 @!p0 $0x0, s1;
	[sflag:s0] =	ssyncset.done @!p0 $0x0  }
0x7a: {  	[sflag:s0] =	ssyncadd.s32 @!p0 s1  }
0x7b: {  	[bflag:$0x3] =	sbarrier.arrive $0xFFFF  }
0x7c: {  	_ =	shalt  }

// kernel: sparse-core-data-format-call.cloned.1.call-start
scs
called_computation_lowered:
.L_overlay_start_0:
0x0: {  	s2 =	sld [smem:$0x3FD9]  }
0x1: {  	s3 =	sld [smem:$0x3FFE];
	_ =	sdelay $0x1  }
0x2: {  	s1 =	srdreg.scid  }
0x3: {  	s0 =	sand.u32 $0x1, s1  }
0x4: {  	s16 =	sshll.u32 s0, $0xA;
	s2 =	sadd.s32 s3, s2  }
0x5: {  	s2 =	sadd.s32 s2, s16  }
0x6: {  	[smem:$0x3FC3] =	sst s2  }
0x7: {  	_ = 	snop  }
0x8: {  	s2 =	sld [smem:$0x3FD0];
	_ =	sdelay $0x2  }
0x9: {  	s17 =	simm.s32 $0xB;
	s4 =	simm.s32 $0x10  }
0xa: {  	[smem:s4], [sflag:s17] =	dma.local [hbm:s2], $0x1  }
0xb: {  	_ =	swait.eq [sflag:s17], $0x1  }
0xc: {  	[sflag:s17] =	ssyncset.done $0x0  }
0xd: {  	[sflag:s17] =	ssyncadd.s32 $0xFFFFFFFF  }
0xe: {  	s18 =	sld [smem:$0x12];
	(tm) =	ssettm $0x1  }
0xf: {  	s19 =	sld [smem:$0x3FFB];
	_ =	sdelay $0x3  }
0x10: {  	_ =	strace s19  }
0x11: {  	s2 =	sld [smem:$0x3FFC];
	_ =	sdelay $0x3  }
0x12: {  	_ =	strace s2  }
0x13: {  	s2 =	sld [smem:$0x3FFD];
	_ =	sdelay $0x3  }
0x14: {  	_ =	strace s2  }
0x15: {  	_ =	strace $0x8FFFFFFF  }
0x16: {  	s20 =	sld [smem:$0x3FDB];
	_ =	sdelay $0x1  }
0x17: {  	s21 =	simm.s32 $_scs_section_size  }
0x18: {  	s5 =	simm.s32 $_size__tile_overlayer_lowered;
	s6 =	simm.s32 $_tile_overlayer_lowered  }
0x19: {  	s7 =	simm.s32 $0x1BFF;
	s22 =	sshll.u32 s6, $0x1;
	s4 =	sadd.s32 s21, s20  }
0x1a: {  	s23 =	simm.s32 $0x0;
	s5 =	sshll.u32 s5, $0x1;
	s6 =	sadd.s32 s22, s4  }
0x1b: {  	[timem:s23], [sflag:s7] =	dma.local [hbm:s6], s5  }
0x1c: {  	_ =	swait.ge [sflag:s7], s5  }
0x1d: {  	s5 =	ssub.s32 $0x0, s5;
	[sflag:s7] =	ssyncset.done $0x0  }
0x1e: {  	[sflag:s7] =	ssyncadd.s32 s5;
	_ =	sdelay $0x1  }
0x1f: {  	s24 =	simm.s32 $0x1B8B  }
0x20: {  	_ =	swait.ge [sflag:s24], $0x1  }
0x21: {  	[sflag:s24] =	ssyncset.done $0x0  }
0x22: {  	[sflag:s24] =	ssyncadd.s32 $0xFFFFFFFF  }
0x23: {  	s5 =	sld [smem:$0x0]  }
0x24: {  	s6 =	sand.u32 $0xFFFFFFFE, s1  }
0x25: {  	p0 =	sne.s32 s1, s6  }
0x26: {  	s6 =	sshll.u32 @p0 s6, $0xE  }
0x27: {  	s6 =	sadd.s32 @p0 $0x11B8D, s6;
	s7 =	sshll.u32 @p0 s5, $0x11  }
0x28: {  	s6 =	sor.u32 @p0 s7, s6  }
0x29: {  	[sflag:s6] =	ssyncadd.remote.s32 @p0 $0x1;
	_ =	sdelay $0x1  }
0x2a: {  	s6 =	simm.s32 @p0 $0x1B8D  }
0x2b: {  	_ =	swait.eq @p0 [sflag:s6], $0x1  }
0x2c: {  	[sflag:s6] =	ssyncadd.s32 @p0 $0xFFFFFFFF  }
0x2d: {  	s7 =	sshll.u32 @!p0 s1, $0xE  }
0x2e: {  	s7 =	sor.u32 @!p0 $0x4000, s7;
	s6 =	simm.s32 @!p0 $0x1B8D  }
0x2f: {  	s5 =	sshll.u32 @!p0 s5, $0x11;
	s7 =	sadd.s32 @!p0 $0x11B8D, s7;
	_ =	swait.eq @!p0 [sflag:s6], $0x1  }
0x30: {  	s5 =	sor.u32 @!p0 s5, s7;
	[sflag:s6] =	ssyncadd.s32 @!p0 $0xFFFFFFFF  }
0x31: {  	s26 =	simm.s32 $0x1B8E;
	s25 =	sld [smem:$0x3FFE];
	[sflag:s5] =	ssyncadd.remote.s32 @!p0 $0x1  }
0x32: {  	s27 =	simm.s32 $execute0_lowered;
	[smem:$0x3FD2] =	sst s26  }
0x33: {  	s6 =	sshll.u32 s27, $0x1;
	_ =	strace $0x8000004C;
	[dreg:$0x1] =	wrdreg $0xFFFFFFFF  }
0x34: {  	s28 =	simm.s32 $_size_execute0_lowered;
	s4 =	sadd.s32 s4, s6;
	[dreg:$0x0] =	wrdreg $0x0  }
0x35: {  	s6 =	sshll.u32 s28, $0x1;
	[dreg:$0x2] =	wrdreg s4  }
0x36: {  	[dreg:$0x3] =	wrdreg s6  }
0x37: {  	[dreg:$0x4] =	wrdreg $0xC0  }
0x38: {  	_ =	task [dreg:s23], $0x5FFFF  }
0x39: {  	[dreg:$0x1] =	wrdreg $0xFFFFFFFF  }
0x3a: {  	[dreg:$0x0] =	wrdreg $0x60  }
0x3b: {  	[dreg:$0x2] =	wrdreg s25  }
0x3c: {  	[dreg:$0x3] =	wrdreg s18  }
0x3d: {  	[dreg:$0x4] =	wrdreg $0x9  }
0x3e: {  	_ =	task.clear_ibuf [dreg:s23], $0x5FFFF;
	_ =	strace $0x9000004C  }
0x3f: {  	s29 =	simm.s32 $0x9;
	_ =	strace $0x8000004E  }
0x40: {  	_ =	swait.ge [sflag:s29], $0x1  }
0x41: {  	[sflag:s29] =	ssyncadd.s32 $0xFFFFFFFF  }
0x42: {  	_ =	strace $0x9000004E  }
0x43: {  	_ =	sfence  }
0x44: {  	s30 =	sld [smem:$0x0];
	_ =	sdelay $0x2  }
0x45: {  	s31 =	sshll.u32 s1, $0xD;
	s1 =	sshrl.u32 s1, $0x2  }
0x46: {  	s4 =	sand.u32 $0x4000, s31;
	s1 =	sadd.s32 s1, s30  }
0x47: {  	s0 =	sor.u32 s4, s0;
	s1 =	sshll.u32 s1, $0x11  }
0x48: {  	s0 =	sor.u32 s1, s0  }
0x49: {  	s0 =	sadd.s32 $0x8F2B, s0  }
0x4a: {  	[sflag:s0] =	ssyncadd.remote.s32 $0x1  }
0x4b: {  	_ =	sfence.sel $0xFFFF  }
0x4c: {  	[dreg:$0x0] =	wrdreg $0xFFFFFFFF;
	(pc) =	sbr.abs _section_cstart, $3  }
0x4d: {  	[dreg:$0x1] =	wrdreg $0xFFFFFFFF  }
0x4e: {  	_ =	task.clear_ibuf [dreg:s23], $0x2FFFF;
	_ =	strace $0x9FFFFFFF  }
0x4f: {  	(tm) =	ssettm $0x7FFFFFFF  }
tec
execute0_lowered:
.L_overlay_start_1:
0x0: {  	(tag) =	ssettag $0x1  }
0x1: {  	s1 =	rddreg [dreg:$0x0]  }
0x2: {  	s2 =	rddreg [dreg:$0x1]  }
0x3: {  	s0 =	rddreg [dreg:$0x2]  }
0x4: {  	_ =	strace $0x8000004D;
	s4 =	srdreg.scid;
	s6 =	simm.s32 $0x2  }
0x5: {  	s12 =	simm.s32 $0x0;
	p0 =	por $0x0, $0x0;
	s13 =	simm.s32 $0x0  }
0x6: {  	s15 =	simm.s32 $0x0;
	s14 =	simm.s32 $0x0;
	s8 =	simm.s32 $0x0  }
.Ltmp0:
0x7: {  	s9 =	simm.s32 $0x0;
	s10 =	simm.s32 $0x0;
	(pc) =	sbr.rel .LBB1_1-.Ltmp0, $4  }
0x8: {  	s7 =	simm.s32 $0x0;
	s3 =	sadd.s32 $0x1600, s1;
	s5 =	sshll.u32 s4, $0x4  }
0x9: {  	s1 =	stileid.u32;
	s4 =	simm.s32 $0x1;
	s5 =	sand.u32 $0x10, s5  }
0xa: {  	s21 =	simm.s32 $0x0;
	[sflag:s4] =	ssyncpa.u1 $0x0;
	s5 =	sor.u32 s1, s5  }
0xb: {  	[sflag:s6] =	ssyncpa.u1 $0x0;
	s6 =	simm.s32 $0x8000;
	s11 =	smov.u32 s5  }
.LBB1_7:
0xc: {  	s16 =	sadd.s32 $0x100, s8  }
0xd: {  	s12 =	sadd.s32 $0x8, s9;
	s17 =	smov.u32 s9;
	p2 =	sgt.s32 s16, $0xFFF  }
0xe: {  	s17 =	smov.u32 @p2 s12  }
0xf: {  	s18 =	smov.u32 s10;
	s12 =	sadd.s32 $0x8, s10;
	p3 =	sgt.s32 s17, $0x7  }
0x10: {  	s18 =	smov.u32 @p3 s12  }
0x11: {  	s19 =	smov.u32 s11;
	s12 =	sadd.s32 $0x20, s11;
	p4 =	sgt.s32 s18, $0x7  }
0x12: {  	p1 =	slt.u32 s7, $0x2;
	s19 =	smov.u32 @p4 s12  }
0x13: {  	s7 =	sadd.s32 $0x1, s7;
	s16 =	simm.s32 @p2 $0x0;
	p2 =	sgt.s32 s19, $0x7F  }
0x14: {  	s20 =	simm.s32 @!p1 $0x2;
	s19 =	smov.u32 @p2 s5;
	p2 =	sne.s32 s7, $0x42  }
.Ltmp1:
0x15: {  	s13 =	smov.u32 s9;
	_ =	swait.ge @!p1 [sflag:s20], $0x4000;
	(pc) =	sbr.rel @!p2 .LBB1_8-.Ltmp1, $4  }
0x16: {  	s15 =	smov.u32 s10;
	s14 =	smov.u32 s11;
	[sflag:s20] =	ssyncset.done @!p1 $0x0  }
0x17: {  	p0 =	por !p0, !p0;
	s17 =	simm.s32 @p3 $0x0;
	[sflag:s20] =	ssyncadd.s32 @!p1 $0xFFFFC000  }
0x18: {  	s9 =	smov.u32 s17;
	s18 =	simm.s32 @p4 $0x0;
	s12 =	smov.u32 s8  }
0x19: {  	s8 =	smov.u32 s16;
	s10 =	smov.u32 s18;
	s11 =	smov.u32 s19  }
.LBB1_1:
0x1a: {  	p1 =	sgt.u32 s7, $0x3F  }
0x1b: {  	s16 =	sxor.u32 @!p1 $0xFFFFFFFF, s7  }
0x1c: {  	s17 =	sshll.u32 @!p1 s9, $0x7;
	s18 =	sand.u32 @!p1 $0x78, s8;
	s19 =	sshll.u32 @!p1 s8, $0x3  }
0x1d: {  	s20 =	sand.u32 @!p1 $0xE00, s8;
	s16 =	sshll.u32 @!p1 s16, $0xE;
	s17 =	sand.u32 @!p1 $0x380, s17  }
0x1e: {  	s19 =	sand.u32 @!p1 $0xC00, s19;
	s17 =	sor.u32 @!p1 s17, s18;
	s18 =	sshll.u32 @!p1 s11, $0xF  }
0x1f: {  	s17 =	sor.u32 @!p1 s19, s17;
	s19 =	sshll.u32 @!p1 s10, $0xC;
	s18 =	sadd.s32 @!p1 s3, s18  }
0x20: {  	s16 =	sand.u32 @!p1 $0x4000, s16;
	s18 =	sadd.s32 @!p1 s19, s18;
	s19 =	sand.u32 @!p1 $0x7, s8  }
0x21: {  	s17 =	sshrl.u32 @!p1 s17, $0x3;
	s18 =	sadd.s32 @!p1 s20, s18;
	s19 =	sshll.u32 @!p1 s19, $0x12  }
0x22: {  	s17 =	sadd.s32 @!p1 s17, s18;
	s18 =	sor.u32 @!p1 $0x800, s19;
	s19 =	simm.s32 @!p1 $0x8000  }
0x23: {  	[tilespmem:s16], [sflag:$0x1] =	stream.strided.gather @!p1 [hbm4b:s17+s18], $0x4000, s19, s18, $0x38;
	[tilespmem:$0x10000] =	vst v63  }
0x24: {  	p1 =	seq.s32 s7, $0x0  }
0x25: {  	p2 =	seq.s32 @!p1 s7, $0x41  }
0x26: {  	p1 =	por p1, p2  }
.Ltmp2:
0x27: {  	_ = 	snop;
	(pc) =	sbr.rel @p1 .LBB1_7-.Ltmp2, $1  }
0x28: {  	_ =	sdelay $0x3  }
0x29: {  	s16 =	simm.s32 $0x1  }
0x2a: {  	_ =	swait.ge [sflag:s4], $0x4000;
	s31 =	sshll.u32 s7, $0xE;
	p1 =	por $0x0, $0x0  }
0x2b: {  	s22 =	simm.s32 $0x0;
	s23 =	simm.s32 $0x0;
	s16 =	simm.s32 @!p0 $0x0  }
0x2c: {  	[sflag:s4] =	ssyncset.done $0x0;
	s19 =	sand.u32 $0x4000, s31;
	s16 =	sshll.u32 s16, $0x10  }
0x2d: {  	[sflag:s4] =	ssyncadd.s32 $0xFFFFC000;
	s20 =	sshrl.u32 s16, $0x2;
	s16 =	sor.u32 $0x8000, s19  }
0x2e: {  	s17 =	sor.u32 $0x40, s20;
	s18 =	sor.u32 $0x8410, s20;
	s20 =	sadd.s32 $0x8400, s20  }
.LBB1_3:
0x2f: {  	v1 =	vld [tilespmem:s17+$0xFFFFFFD0]  }
0x30: {  	v2 =	vld [tilespmem:s17+$0x430]  }
0x31: {  	s24 =	sshll.u32 s23, $0xB;
	v4 =	vld [tilespmem:s17+$0xFFFFFFE0]  }
0x32: {  	v7 =	vld [tilespmem:s17+$0xFFFFFFF0];
	v0 =	vmov s24  }
0x33: {  	v8 =	vld [tilespmem:s17+$0x0]  }
0x34: {  	s30 =	sand.u32 $0x300, s21;
	v9 =	vld [tilespmem:s17+$0x10]  }
0x35: {  	s25 =	sand.u32 $0x80, s21;
	v10 =	vld [tilespmem:s17+$0x20];
	s24 =	sadd.s32 s30, s19  }
0x36: {  	v11 =	vld [tilespmem:s17+$0x30];
	s24 =	sadd.s32 s25, s24;
	s25 =	simm.s32 $0x1;
	[tilespmem:s18+$0x60] =	vst v2  }
0x37: {  	s31 =	sshll.u32 s22, $0x2;
	s25 =	simm.s32 @!p1 $0x0;
	[tilespmem:s18+$0xFFFFFC00] =	vst v1;
	v3 =	vld.idx.msk [tilespmem:v0+s24+$0x400 ss:$0x1], $0xffff  }
0x38: {  	v6 =	vld [tilespmem:s17+$0x3D0];
	s25 =	sshll.u32 s25, $0x9;
	[tilespmem:s18+$0xFFFFFC10] =	vst v4;
	s24 =	sand.u32 $0xFFFFFC00, s31  }
0x39: {  	v5 =	vld [tilespmem:s17+$0x3E0];
	[tilespmem:s18+$0xFFFFFC20] =	vst v7;
	s24 =	sor.u32 s25, s24  }
0x3a: {  	[tilespmem:s18+$0xFFFFFC30] =	vst v8;
	v4 =	vld [tilespmem:s17+$0x400];
	s24 =	sshrl.u32 s24, $0x2  }
0x3b: {  	[tilespmem:s18+$0xFFFFFC40] =	vst v9;
	v1 =	vld [tilespmem:s17+$0x410];
	s24 =	sadd.s32 s24, s20  }
0x3c: {  	[tilespmem:s24+$0x0] =	vst v3;
	v3 =	vld [tilespmem:s17+$0x3F0]  }
0x3d: {  	s28 =	simm.s32 $0x80;
	s27 =	simm.s32 $0x100;
	[tilespmem:s18+$0xFFFFFC50] =	vst v10;
	v2 =	vld [tilespmem:s17+$0x420]  }
0x3e: {  	s26 =	smov.u32 s18;
	s29 =	sand.u32 $0x300, s28;
	v7 =	vld [tilespmem:s17+$0xFFFFFFC0];
	[tilespmem:s18+$0xFFFFFC60] =	vst v11;
	s25 =	sadd.s32 $0x80, s17  }
.LBB1_4:
0x3f: {  	p2 =	sne.s32 s27, $0x380;
	v8 =	vld [tilespmem:s25+$0xFFFFFFD0];
	s28 =	sand.u32 $0x80, s28;
	s29 =	sadd.s32 s29, s19;
	[tilespmem:s26+$0x0] =	vst v6  }
0x40: {  	s29 =	sadd.s32 s28, s29;
	v6 =	vld [tilespmem:s25+$0x430];
	[tilespmem:s26+$0x10] =	vst v5;
	s28 =	smov.u32 s27  }
0x41: {  	v5 =	vld.idx.msk [tilespmem:v0+s29+$0x400 ss:$0x1], $0xffff;
	[tilespmem:s26+$0x20] =	vst v3  }
0x42: {  	v3 =	vld [tilespmem:s25+$0xFFFFFFE0];
	[tilespmem:s26+$0x30] =	vst v4  }
0x43: {  	v4 =	vld [tilespmem:s25+$0xFFFFFFF0];
	[tilespmem:s26+$0xFFFFFBF0] =	vst v7  }
0x44: {  	v7 =	vld [tilespmem:s25+$0x0];
	[tilespmem:s26+$0x40] =	vst v1  }
0x45: {  	v1 =	vld [tilespmem:s25+$0x10];
	[tilespmem:s26+$0x50] =	vst v2;
	s26 =	sadd.s32 $0x800, s26  }
0x46: {  	s24 =	sadd.s32 $0x800, s24;
	v2 =	vld [tilespmem:s25+$0x20];
	[tilespmem:s26+$0x60] =	vst v6  }
0x47: {  	v9 =	vld [tilespmem:s25+$0x30];
	[tilespmem:s24+$0x0] =	vst v5  }
0x48: {  	[tilespmem:s26+$0xFFFFFC00] =	vst v8;
	v6 =	vld [tilespmem:s25+$0x3D0]  }
0x49: {  	[tilespmem:s26+$0xFFFFFC10] =	vst v3;
	v5 =	vld [tilespmem:s25+$0x3E0]  }
.Ltmp3:
0x4a: {  	[tilespmem:s26+$0xFFFFFC20] =	vst v4;
	v3 =	vld [tilespmem:s25+$0x3F0];
	(pc) =	sbr.rel @p2 .LBB1_4-.Ltmp3, $4  }
0x4b: {  	[tilespmem:s26+$0xFFFFFC30] =	vst v7;
	v4 =	vld [tilespmem:s25+$0x400]  }
0x4c: {  	[tilespmem:s26+$0xFFFFFC40] =	vst v1;
	v1 =	vld [tilespmem:s25+$0x410]  }
0x4d: {  	[tilespmem:s26+$0xFFFFFC50] =	vst v2;
	v2 =	vld [tilespmem:s25+$0x420]  }
0x4e: {  	s27 =	sadd.s32 $0x80, s27;
	s29 =	sand.u32 $0x300, s28;
	v7 =	vld [tilespmem:s25+$0xFFFFFFC0];
	[tilespmem:s26+$0xFFFFFC60] =	vst v9;
	s25 =	sadd.s32 $0x80, s25  }
0x4f: {  	[tilespmem:s26+$0x0] =	vst v6  }
0x50: {  	[tilespmem:s26+$0x10] =	vst v5  }
0x51: {  	v49 =	vld [tilespmem:s25+$0x430];
	[tilespmem:s26+$0x20] =	vst v3  }
0x52: {  	v50 =	vld [tilespmem:s25+$0xFFFFFFD0];
	[tilespmem:s26+$0x30] =	vst v4  }
0x53: {  	v51 =	vld [tilespmem:s25+$0xFFFFFFE0];
	[tilespmem:s26+$0x40] =	vst v1  }
0x54: {  	v52 =	vld [tilespmem:s25+$0xFFFFFFF0];
	[tilespmem:s26+$0x50] =	vst v2  }
0x55: {  	s31 =	sadd.s32 $0x800, s26;
	v53 =	vld [tilespmem:s25+$0x0];
	[tilespmem:s26+$0xFFFFFBF0] =	vst v7  }
0x56: {  	v54 =	vld [tilespmem:s25+$0x10];
	[tilespmem:s31+$0x60] =	vst v49  }
0x57: {  	v55 =	vld [tilespmem:s25+$0x20];
	[tilespmem:s31+$0xFFFFFC00] =	vst v50  }
0x58: {  	v56 =	vld [tilespmem:s25+$0x30];
	[tilespmem:s31+$0xFFFFFC10] =	vst v51  }
0x59: {  	v57 =	vld [tilespmem:s25+$0x3D0];
	[tilespmem:s31+$0xFFFFFC20] =	vst v52  }
0x5a: {  	v58 =	vld [tilespmem:s25+$0x3E0];
	[tilespmem:s31+$0xFFFFFC30] =	vst v53  }
0x5b: {  	v59 =	vld [tilespmem:s25+$0x3F0];
	[tilespmem:s31+$0xFFFFFC40] =	vst v54  }
0x5c: {  	v60 =	vld [tilespmem:s25+$0x400];
	[tilespmem:s31+$0xFFFFFC50] =	vst v55  }
0x5d: {  	v61 =	vld [tilespmem:s25+$0xFFFFFFC0];
	[tilespmem:s31+$0xFFFFFC60] =	vst v56  }
0x5e: {  	s27 =	sand.u32 $0x80, s28;
	s30 =	sadd.s32 s29, s19;
	v62 =	vld [tilespmem:s25+$0x410];
	[tilespmem:s31+$0x0] =	vst v57  }
0x5f: {  	v63 =	vld [tilespmem:s25+$0x420];
	s23 =	sadd.s32 $0x1, s23;
	s27 =	sadd.s32 s27, s30;
	[tilespmem:s31+$0x10] =	vst v58  }
0x60: {  	p2 =	sne.s32 s23, $0x8;
	v0 =	vld.idx.msk [tilespmem:v0+s27+$0x400 ss:$0x1], $0xffff;
	[tilespmem:s31+$0x20] =	vst v59  }
.Ltmp4:
0x61: {  	[tilespmem:s31+$0x30] =	vst v60;
	(pc) =	sbr.rel @p2 .LBB1_3-.Ltmp4, $4  }
0x62: {  	[tilespmem:s31+$0xFFFFFBF0] =	vst v61  }
0x63: {  	[tilespmem:s31+$0x40] =	vst v62  }
0x64: {  	s24 =	sadd.s32 $0x800, s24;
	s17 =	sadd.s32 $0x800, s17;
	[tilespmem:s31+$0x50] =	vst v63  }
0x65: {  	s22 =	sadd.s32 $0x80, s22;
	p1 =	por !p1, !p1;
	s18 =	sadd.s32 $0x80, s18;
	[tilespmem:s24+$0x0] =	vst v0  }
0x66: {  	s15 =	sshll.u32 s15, $0x7;
	s17 =	sand.u32 $0x78, s12  }
0x67: {  	s18 =	sshll.u32 s12, $0x3;
	s14 =	sshll.u32 s14, $0xF;
	s13 =	sshll.u32 s13, $0xC  }
0x68: {  	s29 =	sand.u32 $0xE00, s12;
	s15 =	sand.u32 $0x380, s15;
	s18 =	sand.u32 $0xC00, s18  }
.Ltmp5:
0x69: {  	s14 =	sadd.s32 s2, s14;
	s15 =	sor.u32 s15, s17;
	(pc) =	sbr.rel .LBB1_7-.Ltmp5, $4  }
0x6a: {  	s30 =	sand.u32 $0x7, s12;
	s13 =	sadd.s32 s13, s14;
	s15 =	sor.u32 s18, s15  }
0x6b: {  	s12 =	sshll.u32 s30, $0x12;
	s13 =	sadd.s32 s29, s13;
	s31 =	sshrl.u32 s15, $0x3  }
0x6c: {  	s12 =	sor.u32 $0x800, s12;
	s13 =	sadd.s32 s31, s13  }
0x6d: {  	[hbm4b:s13+s12] =	stream.strided.scatter [tilespmem:s16], [sflag:$0x2], $0x4000, s6, s12, $0x38;
	[tilespmem:$0x10000] =	vst v63  }
.LBB1_8:
0x6e: {  	_ =	sfence.sel $0x180000  }
0x6f: {  	s2 =	simm.s32 $0x1;
	[bflag:$0x0] =	sbarrier.arrive $0xFFFF  }
0x70: {  	s31 =	simm.s32 $0x2;
	[sflag:s2] =	ssyncpa.u1 $0x1  }
0x71: {  	[sflag:s31] =	ssyncpa.u1 $0x1  }
0x72: {  	p0 =	sne.s32 s1, $0x0;
	_ =	strace $0x9000004D  }
0x73: {  	s0 =	sadd.s32 @!p0 $0x100000, s0;
	[bflag:$0x2] =	sbarrier.arrive $0xFFFF  }
0x74: {  	[sflag:s0] =	ssyncadd.tile.s32 @!p0 $0x1;
	_ =	shalt  }
.Lfunc_end1:
_tile_overlayer_lowered:
.L_overlay_start_2:
0x75: {  	(tag) =	ssettag $0x2  }
0x76: {  	s0 =	rddreg [dreg:$0x0];
	s2 =	stileid.u32  }
0x77: {  	s1 =	rddreg [dreg:$0x1];
	p0 =	sne.s32 s2, $0x0  }
0x78: {  	s3 =	rddreg [dreg:$0x2];
	[bflag:$0x3] =	sbarrier.arrive $0xFFFF;
	s2 =	simm.s32 @!p0 $0x1C01  }
0x79: {  	[timem:s3], [sflag:s2] =	dma.local @!p0 [hbm:s0], s1  }
0x7a: {  	s0 =	simm.s32 @!p0 $0x1  }
0x7b: {  	_ =	swait.ge @!p0 [sflag:s0], s1  }
0x7c: {  	s1 =	ssub.s32 @!p0 $0x0, s1;
	[sflag:s0] =	ssyncset.done @!p0 $0x0  }
0x7d: {  	[sflag:s0] =	ssyncadd.s32 @!p0 s1  }
0x7e: {  	[bflag:$0x3] =	sbarrier.arrive $0xFFFF  }
0x7f: {  	_ =	shalt  }

</sc_bundles>
